<compile_context>
chip_gen: v7x
topology: tpu7x:2x2x1
jax: 0.10.2.dev20260603
libtpu: 0.0.44.dev20260713+nightly
codegen_flags: <defaults>
</compile_context>

<pallas_src>
import functools

import jax
import jax.numpy as jnp
from jax import lax
from jax.experimental import pallas as pl
from jax.experimental.pallas import tpu as pltpu
from jax.experimental.pallas import tpu_sc as plsc

N_NODES = 10000
D = 128

NC = 2
NS = 16
CHUNK = 128

N_PAD = 10112
ROWS_PER_TILE = N_PAD // NS
CROWS = 80


def _sc_aggregate(x, eye, idx_all, zacc, n_chunks):
    mesh = plsc.VectorSubcoreMesh(
        core_axis_name="c", subcore_axis_name="s", num_cores=NC, num_subcores=NS
    )

    @functools.partial(
        pl.kernel,
        out_type=[
            jax.ShapeDtypeStruct((NC, N_PAD, D), jnp.float32),
            jax.ShapeDtypeStruct((NC, CROWS, D), jnp.float32),
        ],
        mesh=mesh,
        scratch_types=[
            pltpu.VMEM((4, CHUNK), jnp.int32),
            pltpu.VMEM((CHUNK,), jnp.int32),
            pltpu.VMEM((CHUNK,), jnp.int32),
            pltpu.VMEM((CHUNK,), jnp.int32),
            pltpu.VMEM((CHUNK,), jnp.int32),
            pltpu.VMEM((CHUNK, D), jnp.float32),
            pltpu.VMEM((CHUNK, D), jnp.float32),
            pltpu.VMEM_SHARED((N_PAD, D), jnp.float32),
            pltpu.VMEM_SHARED((CROWS, D), jnp.float32),
            pltpu.VMEM_SHARED((D, D), jnp.float32),
            pltpu.SemaphoreType.DMA,
            pltpu.SemaphoreType.DMA,
            pltpu.SemaphoreType.DMA,
            pltpu.SemaphoreType.DMA,
        ],
    )
    def agg(x_hbm, eye_hbm, idx_hbm, zacc_hbm,
            sums_hbm, cnts_hbm,
            idp, dloa, dhia, dlob, dhib, bufa, bufb, acc_sh, cnt_sh, eye_sh,
            sema, semb, semea, semeb):
        c = lax.axis_index("c")
        s = lax.axis_index("s")
        row0 = s * ROWS_PER_TILE

        pltpu.sync_copy(zacc_hbm, bufa)
        for k in range(4):
            pltpu.sync_copy(bufa, acc_sh.at[pl.ds(row0 + k * CHUNK, CHUNK)])
        pltpu.sync_copy(bufa.at[pl.ds(0, 120)],
                        acc_sh.at[pl.ds(row0 + 4 * CHUNK, 120)])

        @pl.when(s == 0)
        def _():
            pltpu.sync_copy(bufa.at[pl.ds(0, CROWS)], cnt_sh)
            pltpu.sync_copy(eye_hbm, bufb)
            pltpu.sync_copy(bufb, eye_sh)

        plsc.subcore_barrier()

        def pair(k, carry):
            pltpu.sync_copy(idx_hbm.at[c, s, k], idp)
            cpa = pltpu.async_copy(x_hbm.at[idp.at[0]], bufa, sema)
            cpb = pltpu.async_copy(x_hbm.at[idp.at[1]], bufb, semb)
            for t in range(CHUNK // 16):
                sl = pl.ds(t * 16, 16)
                da = idp[2, sl]
                dloa[sl] = da & 127
                dhia[sl] = da >> 7
                db = idp[3, sl]
                dlob[sl] = db & 127
                dhib[sl] = db >> 7
            cpa.wait()
            pltpu.sync_copy(bufa, acc_sh.at[idp.at[2]], add=True)
            ega = pltpu.async_copy(eye_sh.at[dloa], bufa, semea)
            cpb.wait()
            pltpu.sync_copy(bufb, acc_sh.at[idp.at[3]], add=True)
            egb = pltpu.async_copy(eye_sh.at[dlob], bufb, semeb)
            ega.wait()
            pltpu.sync_copy(bufa, cnt_sh.at[dhia], add=True)
            egb.wait()
            pltpu.sync_copy(bufb, cnt_sh.at[dhib], add=True)
            return carry

        lax.fori_loop(0, n_chunks // 2, pair, 0)
        plsc.subcore_barrier()

        for k in range(4):
            sl = pl.ds(row0 + k * CHUNK, CHUNK)
            pltpu.sync_copy(acc_sh.at[sl], bufa)
            pltpu.sync_copy(bufa, sums_hbm.at[c, sl])
        sl = pl.ds(row0 + 4 * CHUNK, 120)
        pltpu.sync_copy(acc_sh.at[sl], bufa.at[pl.ds(0, 120)])
        pltpu.sync_copy(bufa.at[pl.ds(0, 120)], sums_hbm.at[c, sl])

        @pl.when(s == 0)
        def _():
            pltpu.sync_copy(cnt_sh, bufb.at[pl.ds(0, CROWS)])
            pltpu.sync_copy(bufb.at[pl.ds(0, CROWS)], cnts_hbm.at[c])

    return agg(x, eye, idx_all, zacc)


def _tc_finish_body(s0_ref, s1_ref, c0_ref, c1_ref, x_ref, w0_ref, w1_ref,
                    wl_ref, b_ref, out_ref):
    inv0 = 1.0 / jnp.maximum(c0_ref[...], 1.0)
    inv1 = 1.0 / jnp.maximum(c1_ref[...], 1.0)
    m0 = s0_ref[0] * inv0
    m1 = s1_ref[0] * inv1
    acc = jnp.dot(m0, w0_ref[...], preferred_element_type=jnp.float32)
    acc += jnp.dot(m1, w1_ref[...], preferred_element_type=jnp.float32)
    acc += jnp.dot(x_ref[...], wl_ref[...], preferred_element_type=jnp.float32)
    acc += b_ref[...]
    out_ref[...] = jnp.maximum(acc, 0.0)


def _tc_finish(sums, cnt0, cnt1, x, W_rel0, W_rel1, W_loop, b_loop):
    B = 1000
    grid = (N_NODES // B,)
    return pl.pallas_call(
        _tc_finish_body,
        grid=grid,
        in_specs=[
            pl.BlockSpec((1, B, D), lambda i: (0, i, 0)),
            pl.BlockSpec((1, B, D), lambda i: (1, i, 0)),
            pl.BlockSpec((B, 1), lambda i: (i, 0)),
            pl.BlockSpec((B, 1), lambda i: (i, 0)),
            pl.BlockSpec((B, D), lambda i: (i, 0)),
            pl.BlockSpec((D, D), lambda i: (0, 0)),
            pl.BlockSpec((D, D), lambda i: (0, 0)),
            pl.BlockSpec((D, D), lambda i: (0, 0)),
            pl.BlockSpec((1, D), lambda i: (0, 0)),
        ],
        out_specs=pl.BlockSpec((B, D), lambda i: (i, 0)),
        out_shape=jax.ShapeDtypeStruct((N_NODES, D), jnp.float32),
    )(sums, sums, cnt0, cnt1, x, W_rel0, W_rel1, W_loop, b_loop.reshape(1, D))


def kernel(x, edge_index_rel0, edge_index_rel1, W_rel0, W_rel1, W_loop, b_loop):
    n_edges = edge_index_rel0.shape[1]
    per_tile = -(-n_edges // (NS * 2 * CHUNK)) * 2 * CHUNK
    n_chunks = per_tile // CHUNK
    e_pad = per_tile * NS
    pad = e_pad - n_edges

    def prep(ei):
        src = ei[0].astype(jnp.int32)
        dst = ei[1].astype(jnp.int32)
        src = jnp.concatenate([src, jnp.zeros((pad,), jnp.int32)])
        dst = jnp.concatenate([dst, jnp.full((pad,), N_NODES, jnp.int32)])
        packed = jnp.stack([src, dst]).reshape(2, NS, n_chunks // 2, 2, CHUNK)
        return packed.transpose(1, 2, 0, 3, 4).reshape(
            NS, n_chunks // 2, 4, CHUNK)

    idx_all = jnp.stack([prep(edge_index_rel0), prep(edge_index_rel1)])

    zacc = jnp.zeros((CHUNK, D), jnp.float32)
    eye = jnp.eye(D, dtype=jnp.float32)

    sums, cnts = _sc_aggregate(x.astype(jnp.float32), eye, idx_all, zacc,
                               n_chunks)
    cnt_flat = cnts.reshape(NC, CROWS * D)[:, :N_NODES]
    cnt0 = cnt_flat[0].reshape(N_NODES, 1)
    cnt1 = cnt_flat[1].reshape(N_NODES, 1)
    return _tc_finish(sums, cnt0, cnt1, x, W_rel0, W_rel1, W_loop, b_loop)

# --- scband reference (transcript-rebuilt; emitter-appended) ---
"""Pipeline reference for scband-rel-graph-conv-layer-14783277433376 (READ-ONLY COPY).

The authoritative reference and input builder live on the scoring server;
editing this copy changes nothing except your own understanding.
"""

import jax, jax.numpy as jnp
import numpy as np

N_NODES = 10000
D_IN = 128
D_OUT = 128
N_EDGES = 160000


def setup_inputs(seed: int = 0) -> dict:
    key = jax.random.key(seed)
    ks = jax.random.split(key, 8)
    x = jax.random.normal(ks[0], (N_NODES, D_IN), dtype=jnp.float32)
    edge_index_rel0 = jax.random.randint(ks[1], (2, N_EDGES), 0, N_NODES, dtype=jnp.int64)
    edge_index_rel1 = jax.random.randint(ks[2], (2, N_EDGES), 0, N_NODES, dtype=jnp.int64)
    # per-relation message weights (nn.Linear(in,out,bias=False)); stored as [in,out]
    W_rel0 = jax.random.normal(ks[3], (D_IN, D_OUT), dtype=jnp.float32) * (1.0 / np.sqrt(D_IN))
    W_rel1 = jax.random.normal(ks[4], (D_IN, D_OUT), dtype=jnp.float32) * (1.0 / np.sqrt(D_IN))
    # self-loop weight per ntype (nn.Linear(in,out,bias=True))
    W_loop = jax.random.normal(ks[5], (D_IN, D_OUT), dtype=jnp.float32) * (1.0 / np.sqrt(D_IN))
    b_loop = jax.random.normal(ks[6], (D_OUT,), dtype=jnp.float32) * 0.01
    return {
        "x": x,
        "edge_index_rel0": edge_index_rel0,
        "edge_index_rel1": edge_index_rel1,
        "W_rel0": W_rel0,
        "W_rel1": W_rel1,
        "W_loop": W_loop,
        "b_loop": b_loop,
    }


def _mean_aggregate(h_src, edge_index, num_dst):
    # SimpleConv(aggr='mean'): gather src features, scatter-mean onto dst nodes
    src = edge_index[0]
    dst = edge_index[1]
    msg = jnp.take(h_src, src, axis=0)                      # gather  [E, D]
    summed = jax.ops.segment_sum(msg, dst, num_segments=num_dst)
    ones = jnp.ones((src.shape[0], 1), dtype=h_src.dtype)
    count = jax.ops.segment_sum(ones, dst, num_segments=num_dst)
    return summed / jnp.maximum(count, 1.0)


def reference(x, edge_index_rel0, edge_index_rel1, W_rel0, W_rel1, W_loop, b_loop):
    # single ntype 'node'; dst_size == N (full dst set), so h_dst = x
    num_dst = x.shape[0]
    # relation rel0
    t0 = _mean_aggregate(x, edge_index_rel0, num_dst) @ W_rel0
    # relation rel1 (same dst ntype -> accumulate)
    t1 = _mean_aggregate(x, edge_index_rel1, num_dst) @ W_rel1
    h_out = t0 + t1
    # self-loop linear on h_dst, activation, dropout(p=0) == identity
    h_out = h_out + (x @ W_loop + b_loop)
    h_out = jax.nn.relu(h_out)
    return h_out

if __name__ == "__main__":
    import jax
    _d = setup_inputs()
    print(jax.jit(kernel)(*tuple(_d.values())))

</pallas_src>

<mosaic_0001>
#map = affine_map<(d0, d1) -> (0, 0)>
#map1 = affine_map<(d0, d1) -> (0, 0, 0, 0, 0)>
#map2 = affine_map<(d0, d1) -> (0, 0, 0)>
module attributes {stable_mosaic.version = 14 : i64} {
  func.func @agg(%arg0: i32, %arg1: i32, %arg2: memref<10000x128xf32, #tpu.memory_space<hbm>>, %arg3: memref<128x128xf32, #tpu.memory_space<hbm>>, %arg4: memref<2x16x40x4x128xi32, #tpu.memory_space<hbm>>, %arg5: memref<128x128xf32, #tpu.memory_space<hbm>>, %arg6: memref<2x10112x128xf32, #tpu.memory_space<hbm>>, %arg7: memref<2x80x128xf32, #tpu.memory_space<hbm>>, %arg8: memref<4x128xi32, #tpu.memory_space<vmem>>, %arg9: memref<128xi32, #tpu.memory_space<vmem>>, %arg10: memref<128xi32, #tpu.memory_space<vmem>>, %arg11: memref<128xi32, #tpu.memory_space<vmem>>, %arg12: memref<128xi32, #tpu.memory_space<vmem>>, %arg13: memref<128x128xf32, #tpu.memory_space<vmem>>, %arg14: memref<128x128xf32, #tpu.memory_space<vmem>>, %arg15: memref<10112x128xf32, #tpu.memory_space<vmem_shared>>, %arg16: memref<80x128xf32, #tpu.memory_space<vmem_shared>>, %arg17: memref<128x128xf32, #tpu.memory_space<vmem_shared>>, %arg18: memref<!tpu.dma_semaphore, #tpu.memory_space<semaphore_mem>>, %arg19: memref<!tpu.dma_semaphore, #tpu.memory_space<semaphore_mem>>, %arg20: memref<!tpu.dma_semaphore, #tpu.memory_space<semaphore_mem>>, %arg21: memref<!tpu.dma_semaphore, #tpu.memory_space<semaphore_mem>>) attributes {dimension_semantics = [#tpu.dimension_semantics<core_parallel>, #tpu.dimension_semantics<subcore_parallel>], iteration_bounds = array<i64: 2, 16>, scalar_prefetch = 0 : i64, scratch_operands = 14 : i64, tpu.core_type = #tpu.core_type<sc_vector_subcore>, window_params = [{transform_indices = #map}, {transform_indices = #map}, {transform_indices = #map1}, {transform_indices = #map}, {transform_indices = #map2}, {transform_indices = #map2}]} {
    %mul3A = arith.constant 632 : i32
    %mul3A_0 = arith.muli %arg1, %mul3A : i32
    "tpu.region"() ({
      %run_scoped3A = tpu.sem_alloc : memref<!tpu.dma_semaphore, #tpu.memory_space<semaphore_mem>>
      tpu.enqueue_dma source(%arg5 : memref<128x128xf32, #tpu.memory_space<hbm>>) target(%arg13 : memref<128x128xf32, #tpu.memory_space<vmem>>) target_semaphore(%run_scoped3A : memref<!tpu.dma_semaphore, #tpu.memory_space<semaphore_mem>>)
      tpu.wait_dma2 semaphore(%run_scoped3A : memref<!tpu.dma_semaphore, #tpu.memory_space<semaphore_mem>>) src(%arg5 : memref<128x128xf32, #tpu.memory_space<hbm>>) dst(%arg13 : memref<128x128xf32, #tpu.memory_space<vmem>>)
      tpu.yield
    }) : () -> ()
    %add3A = arith.constant 0 : i32
    %add3A_1 = arith.addi %mul3A_0, %add3A : i32
    "tpu.region"() ({
      %run_scoped3A = tpu.sem_alloc : memref<!tpu.dma_semaphore, #tpu.memory_space<semaphore_mem>>
      %dma_start3A = arith.constant 0 : i32
      %dma_start3A_33 = tpu.memref_slice %arg15[%add3A_1, %dma_start3A] : memref<10112x128xf32, #tpu.memory_space<vmem_shared>> -> memref<128x128xf32, #tpu.memory_space<vmem_shared>>
      %dma_start3A_34 = arith.constant 0 : i32
      %dma_start3A_35 = tpu.memref_slice %arg15[%add3A_1, %dma_start3A_34] : memref<10112x128xf32, #tpu.memory_space<vmem_shared>> -> memref<128x128xf32, #tpu.memory_space<vmem_shared>>
      tpu.enqueue_dma source(%arg13 : memref<128x128xf32, #tpu.memory_space<vmem>>) target(%dma_start3A_35 : memref<128x128xf32, #tpu.memory_space<vmem_shared>>) target_semaphore(%run_scoped3A : memref<!tpu.dma_semaphore, #tpu.memory_space<semaphore_mem>>)
      %dma_wait3A = arith.constant 0 : i32
      %dma_wait3A_36 = tpu.memref_slice %arg15[%add3A_1, %dma_wait3A] : memref<10112x128xf32, #tpu.memory_space<vmem_shared>> -> memref<128x128xf32, #tpu.memory_space<vmem_shared>>
      %dma_wait3A_37 = arith.constant 0 : i32
      %dma_wait3A_38 = tpu.memref_slice %arg15[%add3A_1, %dma_wait3A_37] : memref<10112x128xf32, #tpu.memory_space<vmem_shared>> -> memref<128x128xf32, #tpu.memory_space<vmem_shared>>
      tpu.wait_dma2 semaphore(%run_scoped3A : memref<!tpu.dma_semaphore, #tpu.memory_space<semaphore_mem>>) src(%arg13 : memref<128x128xf32, #tpu.memory_space<vmem>>) dst(%dma_wait3A_38 : memref<128x128xf32, #tpu.memory_space<vmem_shared>>)
      tpu.yield
    }) : () -> ()
    %add3A_2 = arith.constant 128 : i32
    %add3A_3 = arith.addi %mul3A_0, %add3A_2 : i32
    "tpu.region"() ({
      %run_scoped3A = tpu.sem_alloc : memref<!tpu.dma_semaphore, #tpu.memory_space<semaphore_mem>>
      %dma_start3A = arith.constant 0 : i32
      %dma_start3A_33 = tpu.memref_slice %arg15[%add3A_3, %dma_start3A] : memref<10112x128xf32, #tpu.memory_space<vmem_shared>> -> memref<128x128xf32, #tpu.memory_space<vmem_shared>>
      %dma_start3A_34 = arith.constant 0 : i32
      %dma_start3A_35 = tpu.memref_slice %arg15[%add3A_3, %dma_start3A_34] : memref<10112x128xf32, #tpu.memory_space<vmem_shared>> -> memref<128x128xf32, #tpu.memory_space<vmem_shared>>
      tpu.enqueue_dma source(%arg13 : memref<128x128xf32, #tpu.memory_space<vmem>>) target(%dma_start3A_35 : memref<128x128xf32, #tpu.memory_space<vmem_shared>>) target_semaphore(%run_scoped3A : memref<!tpu.dma_semaphore, #tpu.memory_space<semaphore_mem>>)
      %dma_wait3A = arith.constant 0 : i32
      %dma_wait3A_36 = tpu.memref_slice %arg15[%add3A_3, %dma_wait3A] : memref<10112x128xf32, #tpu.memory_space<vmem_shared>> -> memref<128x128xf32, #tpu.memory_space<vmem_shared>>
      %dma_wait3A_37 = arith.constant 0 : i32
      %dma_wait3A_38 = tpu.memref_slice %arg15[%add3A_3, %dma_wait3A_37] : memref<10112x128xf32, #tpu.memory_space<vmem_shared>> -> memref<128x128xf32, #tpu.memory_space<vmem_shared>>
      tpu.wait_dma2 semaphore(%run_scoped3A : memref<!tpu.dma_semaphore, #tpu.memory_space<semaphore_mem>>) src(%arg13 : memref<128x128xf32, #tpu.memory_space<vmem>>) dst(%dma_wait3A_38 : memref<128x128xf32, #tpu.memory_space<vmem_shared>>)
      tpu.yield
    }) : () -> ()
    %add3A_4 = arith.constant 256 : i32
    %add3A_5 = arith.addi %mul3A_0, %add3A_4 : i32
    "tpu.region"() ({
      %run_scoped3A = tpu.sem_alloc : memref<!tpu.dma_semaphore, #tpu.memory_space<semaphore_mem>>
      %dma_start3A = arith.constant 0 : i32
      %dma_start3A_33 = tpu.memref_slice %arg15[%add3A_5, %dma_start3A] : memref<10112x128xf32, #tpu.memory_space<vmem_shared>> -> memref<128x128xf32, #tpu.memory_space<vmem_shared>>
      %dma_start3A_34 = arith.constant 0 : i32
      %dma_start3A_35 = tpu.memref_slice %arg15[%add3A_5, %dma_start3A_34] : memref<10112x128xf32, #tpu.memory_space<vmem_shared>> -> memref<128x128xf32, #tpu.memory_space<vmem_shared>>
      tpu.enqueue_dma source(%arg13 : memref<128x128xf32, #tpu.memory_space<vmem>>) target(%dma_start3A_35 : memref<128x128xf32, #tpu.memory_space<vmem_shared>>) target_semaphore(%run_scoped3A : memref<!tpu.dma_semaphore, #tpu.memory_space<semaphore_mem>>)
      %dma_wait3A = arith.constant 0 : i32
      %dma_wait3A_36 = tpu.memref_slice %arg15[%add3A_5, %dma_wait3A] : memref<10112x128xf32, #tpu.memory_space<vmem_shared>> -> memref<128x128xf32, #tpu.memory_space<vmem_shared>>
      %dma_wait3A_37 = arith.constant 0 : i32
      %dma_wait3A_38 = tpu.memref_slice %arg15[%add3A_5, %dma_wait3A_37] : memref<10112x128xf32, #tpu.memory_space<vmem_shared>> -> memref<128x128xf32, #tpu.memory_space<vmem_shared>>
      tpu.wait_dma2 semaphore(%run_scoped3A : memref<!tpu.dma_semaphore, #tpu.memory_space<semaphore_mem>>) src(%arg13 : memref<128x128xf32, #tpu.memory_space<vmem>>) dst(%dma_wait3A_38 : memref<128x128xf32, #tpu.memory_space<vmem_shared>>)
      tpu.yield
    }) : () -> ()
    %add3A_6 = arith.constant 384 : i32
    %add3A_7 = arith.addi %mul3A_0, %add3A_6 : i32
    "tpu.region"() ({
      %run_scoped3A = tpu.sem_alloc : memref<!tpu.dma_semaphore, #tpu.memory_space<semaphore_mem>>
      %dma_start3A = arith.constant 0 : i32
      %dma_start3A_33 = tpu.memref_slice %arg15[%add3A_7, %dma_start3A] : memref<10112x128xf32, #tpu.memory_space<vmem_shared>> -> memref<128x128xf32, #tpu.memory_space<vmem_shared>>
      %dma_start3A_34 = arith.constant 0 : i32
      %dma_start3A_35 = tpu.memref_slice %arg15[%add3A_7, %dma_start3A_34] : memref<10112x128xf32, #tpu.memory_space<vmem_shared>> -> memref<128x128xf32, #tpu.memory_space<vmem_shared>>
      tpu.enqueue_dma source(%arg13 : memref<128x128xf32, #tpu.memory_space<vmem>>) target(%dma_start3A_35 : memref<128x128xf32, #tpu.memory_space<vmem_shared>>) target_semaphore(%run_scoped3A : memref<!tpu.dma_semaphore, #tpu.memory_space<semaphore_mem>>)
      %dma_wait3A = arith.constant 0 : i32
      %dma_wait3A_36 = tpu.memref_slice %arg15[%add3A_7, %dma_wait3A] : memref<10112x128xf32, #tpu.memory_space<vmem_shared>> -> memref<128x128xf32, #tpu.memory_space<vmem_shared>>
      %dma_wait3A_37 = arith.constant 0 : i32
      %dma_wait3A_38 = tpu.memref_slice %arg15[%add3A_7, %dma_wait3A_37] : memref<10112x128xf32, #tpu.memory_space<vmem_shared>> -> memref<128x128xf32, #tpu.memory_space<vmem_shared>>
      tpu.wait_dma2 semaphore(%run_scoped3A : memref<!tpu.dma_semaphore, #tpu.memory_space<semaphore_mem>>) src(%arg13 : memref<128x128xf32, #tpu.memory_space<vmem>>) dst(%dma_wait3A_38 : memref<128x128xf32, #tpu.memory_space<vmem_shared>>)
      tpu.yield
    }) : () -> ()
    %add3A_8 = arith.constant 512 : i32
    %add3A_9 = arith.addi %mul3A_0, %add3A_8 : i32
    "tpu.region"() ({
      %run_scoped3A = tpu.sem_alloc : memref<!tpu.dma_semaphore, #tpu.memory_space<semaphore_mem>>
      %dma_start3A = arith.constant 0 : i32
      %dma_start3A_33 = arith.constant 0 : i32
      %dma_start3A_34 = tpu.memref_slice %arg13[%dma_start3A, %dma_start3A_33] : memref<128x128xf32, #tpu.memory_space<vmem>> -> memref<120x128xf32, #tpu.memory_space<vmem>>
      %dma_start3A_35 = arith.constant 0 : i32
      %dma_start3A_36 = tpu.memref_slice %arg15[%add3A_9, %dma_start3A_35] : memref<10112x128xf32, #tpu.memory_space<vmem_shared>> -> memref<120x128xf32, #tpu.memory_space<vmem_shared>>
      %dma_start3A_37 = arith.constant 0 : i32
      %dma_start3A_38 = tpu.memref_slice %arg15[%add3A_9, %dma_start3A_37] : memref<10112x128xf32, #tpu.memory_space<vmem_shared>> -> memref<120x128xf32, #tpu.memory_space<vmem_shared>>
      %dma_start3A_39 = arith.constant 0 : i32
      %dma_start3A_40 = arith.constant 0 : i32
      %dma_start3A_41 = tpu.memref_slice %arg13[%dma_start3A_39, %dma_start3A_40] : memref<128x128xf32, #tpu.memory_space<vmem>> -> memref<120x128xf32, #tpu.memory_space<vmem>>
      tpu.enqueue_dma source(%dma_start3A_41 : memref<120x128xf32, #tpu.memory_space<vmem>>) target(%dma_start3A_38 : memref<120x128xf32, #tpu.memory_space<vmem_shared>>) target_semaphore(%run_scoped3A : memref<!tpu.dma_semaphore, #tpu.memory_space<semaphore_mem>>)
      %dma_wait3A = arith.constant 0 : i32
      %dma_wait3A_42 = arith.constant 0 : i32
      %dma_wait3A_43 = tpu.memref_slice %arg13[%dma_wait3A, %dma_wait3A_42] : memref<128x128xf32, #tpu.memory_space<vmem>> -> memref<120x128xf32, #tpu.memory_space<vmem>>
      %dma_wait3A_44 = arith.constant 0 : i32
      %dma_wait3A_45 = tpu.memref_slice %arg15[%add3A_9, %dma_wait3A_44] : memref<10112x128xf32, #tpu.memory_space<vmem_shared>> -> memref<120x128xf32, #tpu.memory_space<vmem_shared>>
      %dma_wait3A_46 = arith.constant 0 : i32
      %dma_wait3A_47 = tpu.memref_slice %arg15[%add3A_9, %dma_wait3A_46] : memref<10112x128xf32, #tpu.memory_space<vmem_shared>> -> memref<120x128xf32, #tpu.memory_space<vmem_shared>>
      %dma_wait3A_48 = arith.constant 0 : i32
      %dma_wait3A_49 = arith.constant 0 : i32
      %dma_wait3A_50 = tpu.memref_slice %arg13[%dma_wait3A_48, %dma_wait3A_49] : memref<128x128xf32, #tpu.memory_space<vmem>> -> memref<120x128xf32, #tpu.memory_space<vmem>>
      tpu.wait_dma2 semaphore(%run_scoped3A : memref<!tpu.dma_semaphore, #tpu.memory_space<semaphore_mem>>) src(%dma_wait3A_50 : memref<120x128xf32, #tpu.memory_space<vmem>>) dst(%dma_wait3A_47 : memref<120x128xf32, #tpu.memory_space<vmem_shared>>)
      tpu.yield
    }) : () -> ()
    %eq3A = arith.constant 0 : i32
    %eq3A_10 = arith.cmpi eq, %arg1, %eq3A : i32
    %convert_element_type3A = arith.extui %eq3A_10 : i1 to i32
    %cond3A = arith.constant 0 : i32
    %cond3A_11 = arith.cmpi ne, %convert_element_type3A, %cond3A : i32
    scf.if %cond3A_11 {
      "tpu.region"() ({
        %run_scoped3A = tpu.sem_alloc : memref<!tpu.dma_semaphore, #tpu.memory_space<semaphore_mem>>
        %dma_start3A = arith.constant 0 : i32
        %dma_start3A_33 = arith.constant 0 : i32
        %dma_start3A_34 = tpu.memref_slice %arg13[%dma_start3A, %dma_start3A_33] : memref<128x128xf32, #tpu.memory_space<vmem>> -> memref<80x128xf32, #tpu.memory_space<vmem>>
        %dma_start3A_35 = arith.constant 0 : i32
        %dma_start3A_36 = arith.constant 0 : i32
        %dma_start3A_37 = tpu.memref_slice %arg13[%dma_start3A_35, %dma_start3A_36] : memref<128x128xf32, #tpu.memory_space<vmem>> -> memref<80x128xf32, #tpu.memory_space<vmem>>
        tpu.enqueue_dma source(%dma_start3A_37 : memref<80x128xf32, #tpu.memory_space<vmem>>) target(%arg16 : memref<80x128xf32, #tpu.memory_space<vmem_shared>>) target_semaphore(%run_scoped3A : memref<!tpu.dma_semaphore, #tpu.memory_space<semaphore_mem>>)
        %dma_wait3A = arith.constant 0 : i32
        %dma_wait3A_38 = arith.constant 0 : i32
        %dma_wait3A_39 = tpu.memref_slice %arg13[%dma_wait3A, %dma_wait3A_38] : memref<128x128xf32, #tpu.memory_space<vmem>> -> memref<80x128xf32, #tpu.memory_space<vmem>>
        %dma_wait3A_40 = arith.constant 0 : i32
        %dma_wait3A_41 = arith.constant 0 : i32
        %dma_wait3A_42 = tpu.memref_slice %arg13[%dma_wait3A_40, %dma_wait3A_41] : memref<128x128xf32, #tpu.memory_space<vmem>> -> memref<80x128xf32, #tpu.memory_space<vmem>>
        tpu.wait_dma2 semaphore(%run_scoped3A : memref<!tpu.dma_semaphore, #tpu.memory_space<semaphore_mem>>) src(%dma_wait3A_42 : memref<80x128xf32, #tpu.memory_space<vmem>>) dst(%arg16 : memref<80x128xf32, #tpu.memory_space<vmem_shared>>)
        tpu.yield
      }) : () -> ()
      "tpu.region"() ({
        %run_scoped3A = tpu.sem_alloc : memref<!tpu.dma_semaphore, #tpu.memory_space<semaphore_mem>>
        tpu.enqueue_dma source(%arg3 : memref<128x128xf32, #tpu.memory_space<hbm>>) target(%arg14 : memref<128x128xf32, #tpu.memory_space<vmem>>) target_semaphore(%run_scoped3A : memref<!tpu.dma_semaphore, #tpu.memory_space<semaphore_mem>>)
        tpu.wait_dma2 semaphore(%run_scoped3A : memref<!tpu.dma_semaphore, #tpu.memory_space<semaphore_mem>>) src(%arg3 : memref<128x128xf32, #tpu.memory_space<hbm>>) dst(%arg14 : memref<128x128xf32, #tpu.memory_space<vmem>>)
        tpu.yield
      }) : () -> ()
      "tpu.region"() ({
        %run_scoped3A = tpu.sem_alloc : memref<!tpu.dma_semaphore, #tpu.memory_space<semaphore_mem>>
        tpu.enqueue_dma source(%arg14 : memref<128x128xf32, #tpu.memory_space<vmem>>) target(%arg17 : memref<128x128xf32, #tpu.memory_space<vmem_shared>>) target_semaphore(%run_scoped3A : memref<!tpu.dma_semaphore, #tpu.memory_space<semaphore_mem>>)
        tpu.wait_dma2 semaphore(%run_scoped3A : memref<!tpu.dma_semaphore, #tpu.memory_space<semaphore_mem>>) src(%arg14 : memref<128x128xf32, #tpu.memory_space<vmem>>) dst(%arg17 : memref<128x128xf32, #tpu.memory_space<vmem_shared>>)
        tpu.yield
      }) : () -> ()
    } else {
    }
    %barrier3A = arith.constant 0 : index
    tpu.barrier barrier_id(%barrier3A)
    %scan3A = arith.constant 0 : i32
    %scan3A_12 = arith.constant 0 : i32
    %scan3A_13 = arith.constant 40 : i32
    %scan3A_14 = arith.addi %scan3A_12, %scan3A_13 : i32
    %scan3A_15 = arith.constant 1 : i32
    scf.for %scan3A_33 = %scan3A_12 to %scan3A_14 step %scan3A_15  : i32 {
      "tpu.region"() ({
        %run_scoped3A_373 = tpu.sem_alloc : memref<!tpu.dma_semaphore, #tpu.memory_space<semaphore_mem>>
        %dma_start3A_374 = arith.constant 0 : i32
        %dma_start3A_375 = arith.constant 0 : i32
        %dma_start3A_376 = tpu.memref_slice %arg4[%arg0, %arg1, %scan3A_33, %dma_start3A_374, %dma_start3A_375] : memref<2x16x40x4x128xi32, #tpu.memory_space<hbm>> -> memref<1x1x1x4x128xi32, #tpu.memory_space<hbm>>
        %dma_start3A_377 = tpu.memref_squeeze %dma_start3A_376 : memref<1x1x1x4x128xi32, #tpu.memory_space<hbm>> -> memref<4x128xi32, #tpu.memory_space<hbm>>
        %dma_start3A_378 = arith.constant 0 : i32
        %dma_start3A_379 = arith.constant 0 : i32
        %dma_start3A_380 = tpu.memref_slice %arg4[%arg0, %arg1, %scan3A_33, %dma_start3A_378, %dma_start3A_379] : memref<2x16x40x4x128xi32, #tpu.memory_space<hbm>> -> memref<1x1x1x4x128xi32, #tpu.memory_space<hbm>>
        %dma_start3A_381 = tpu.memref_squeeze %dma_start3A_380 : memref<1x1x1x4x128xi32, #tpu.memory_space<hbm>> -> memref<4x128xi32, #tpu.memory_space<hbm>>
        tpu.enqueue_dma source(%dma_start3A_381 : memref<4x128xi32, #tpu.memory_space<hbm>>) target(%arg8 : memref<4x128xi32, #tpu.memory_space<vmem>>) target_semaphore(%run_scoped3A_373 : memref<!tpu.dma_semaphore, #tpu.memory_space<semaphore_mem>>)
        %dma_wait3A_382 = arith.constant 0 : i32
        %dma_wait3A_383 = arith.constant 0 : i32
        %dma_wait3A_384 = tpu.memref_slice %arg4[%arg0, %arg1, %scan3A_33, %dma_wait3A_382, %dma_wait3A_383] : memref<2x16x40x4x128xi32, #tpu.memory_space<hbm>> -> memref<1x1x1x4x128xi32, #tpu.memory_space<hbm>>
        %dma_wait3A_385 = tpu.memref_squeeze %dma_wait3A_384 : memref<1x1x1x4x128xi32, #tpu.memory_space<hbm>> -> memref<4x128xi32, #tpu.memory_space<hbm>>
        %dma_wait3A_386 = arith.constant 0 : i32
        %dma_wait3A_387 = arith.constant 0 : i32
        %dma_wait3A_388 = tpu.memref_slice %arg4[%arg0, %arg1, %scan3A_33, %dma_wait3A_386, %dma_wait3A_387] : memref<2x16x40x4x128xi32, #tpu.memory_space<hbm>> -> memref<1x1x1x4x128xi32, #tpu.memory_space<hbm>>
        %dma_wait3A_389 = tpu.memref_squeeze %dma_wait3A_388 : memref<1x1x1x4x128xi32, #tpu.memory_space<hbm>> -> memref<4x128xi32, #tpu.memory_space<hbm>>
        tpu.wait_dma2 semaphore(%run_scoped3A_373 : memref<!tpu.dma_semaphore, #tpu.memory_space<semaphore_mem>>) src(%dma_wait3A_389 : memref<4x128xi32, #tpu.memory_space<hbm>>) dst(%arg8 : memref<4x128xi32, #tpu.memory_space<vmem>>)
        tpu.yield
      }) : () -> ()
      %dma_start3A = arith.constant 0 : i32
      %dma_start3A_34 = arith.constant 0 : i32
      %dma_start3A_35 = tpu.memref_slice %arg8[%dma_start3A, %dma_start3A_34] : memref<4x128xi32, #tpu.memory_space<vmem>> -> memref<1x128xi32, #tpu.memory_space<vmem>>
      %dma_start3A_36 = tpu.memref_squeeze %dma_start3A_35 : memref<1x128xi32, #tpu.memory_space<vmem>> -> memref<128xi32, #tpu.memory_space<vmem>>
      %dma_start3A_37 = arith.constant 0 : i32
      %dma_start3A_38 = arith.constant 0 : i32
      %dma_start3A_39 = tpu.memref_slice %arg2[%dma_start3A_37, %dma_start3A_38] : memref<10000x128xf32, #tpu.memory_space<hbm>> -> memref<10000x128xf32, #tpu.memory_space<hbm>>
      tpu.enqueue_indirect_dma source(%dma_start3A_39 : memref<10000x128xf32, #tpu.memory_space<hbm>>) target(%arg13 : memref<128x128xf32, #tpu.memory_space<vmem>>) offsets(%dma_start3A_36 : memref<128xi32, #tpu.memory_space<vmem>>) semaphore(%arg18 : memref<!tpu.dma_semaphore, #tpu.memory_space<semaphore_mem>>)
      %dma_start3A_40 = arith.constant 1 : i32
      %dma_start3A_41 = arith.constant 0 : i32
      %dma_start3A_42 = tpu.memref_slice %arg8[%dma_start3A_40, %dma_start3A_41] : memref<4x128xi32, #tpu.memory_space<vmem>> -> memref<1x128xi32, #tpu.memory_space<vmem>>
      %dma_start3A_43 = tpu.memref_squeeze %dma_start3A_42 : memref<1x128xi32, #tpu.memory_space<vmem>> -> memref<128xi32, #tpu.memory_space<vmem>>
      %dma_start3A_44 = arith.constant 0 : i32
      %dma_start3A_45 = arith.constant 0 : i32
      %dma_start3A_46 = tpu.memref_slice %arg2[%dma_start3A_44, %dma_start3A_45] : memref<10000x128xf32, #tpu.memory_space<hbm>> -> memref<10000x128xf32, #tpu.memory_space<hbm>>
      tpu.enqueue_indirect_dma source(%dma_start3A_46 : memref<10000x128xf32, #tpu.memory_space<hbm>>) target(%arg14 : memref<128x128xf32, #tpu.memory_space<vmem>>) offsets(%dma_start3A_43 : memref<128xi32, #tpu.memory_space<vmem>>) semaphore(%arg19 : memref<!tpu.dma_semaphore, #tpu.memory_space<semaphore_mem>>)
      %get3A = arith.constant 2 : i32
      %get3A_47 = arith.index_cast %get3A : i32 to index
      %get3A_48 = arith.constant 0 : index
      %get3A_49 = tpu.vector_load %arg8[%get3A_47, %get3A_48] {strides = array<i32>} : memref<4x128xi32, #tpu.memory_space<vmem>>, vector<1x16xi32>,
      %get3A_50 = vector.shape_cast %get3A_49 : vector<1x16xi32> to vector<16xi32>
      %and3A = arith.constant 127 : i32
      %and3A_51 = vector.broadcast %and3A : i32 to vector<16xi32>
      %and3A_52 = arith.andi %get3A_50, %and3A_51 : vector<16xi32>
      %swap3A = arith.constant 0 : index
      %swap3A_53 = tpu.vector_load %arg9[%swap3A] {strides = array<i32>} : memref<128xi32, #tpu.memory_space<vmem>>, vector<16xi32>,
      %swap3A_54 = vector.shape_cast %swap3A_53 : vector<16xi32> to vector<16xi32>
      %swap3A_55 = vector.shape_cast %and3A_52 : vector<16xi32> to vector<16xi32>
      tpu.vector_store %arg9[%swap3A], %swap3A_55 {strides = array<i32>} : memref<128xi32, #tpu.memory_space<vmem>>, vector<16xi32>,
      %shift_right_arithmetic3A = arith.constant 7 : i32
      %shift_right_arithmetic3A_56 = vector.broadcast %shift_right_arithmetic3A : i32 to vector<16xi32>
      %shift_right_arithmetic3A_57 = arith.shrsi %get3A_50, %shift_right_arithmetic3A_56 : vector<16xi32>
      %swap3A_58 = arith.constant 0 : index
      %swap3A_59 = tpu.vector_load %arg10[%swap3A_58] {strides = array<i32>} : memref<128xi32, #tpu.memory_space<vmem>>, vector<16xi32>,
      %swap3A_60 = vector.shape_cast %swap3A_59 : vector<16xi32> to vector<16xi32>
      %swap3A_61 = vector.shape_cast %shift_right_arithmetic3A_57 : vector<16xi32> to vector<16xi32>
      tpu.vector_store %arg10[%swap3A_58], %swap3A_61 {strides = array<i32>} : memref<128xi32, #tpu.memory_space<vmem>>, vector<16xi32>,
      %get3A_62 = arith.constant 3 : i32
      %get3A_63 = arith.index_cast %get3A_62 : i32 to index
      %get3A_64 = arith.constant 0 : index
      %get3A_65 = tpu.vector_load %arg8[%get3A_63, %get3A_64] {strides = array<i32>} : memref<4x128xi32, #tpu.memory_space<vmem>>, vector<1x16xi32>,
      %get3A_66 = vector.shape_cast %get3A_65 : vector<1x16xi32> to vector<16xi32>
      %and3A_67 = arith.constant 127 : i32
      %and3A_68 = vector.broadcast %and3A_67 : i32 to vector<16xi32>
      %and3A_69 = arith.andi %get3A_66, %and3A_68 : vector<16xi32>
      %swap3A_70 = arith.constant 0 : index
      %swap3A_71 = tpu.vector_load %arg11[%swap3A_70] {strides = array<i32>} : memref<128xi32, #tpu.memory_space<vmem>>, vector<16xi32>,
      %swap3A_72 = vector.shape_cast %swap3A_71 : vector<16xi32> to vector<16xi32>
      %swap3A_73 = vector.shape_cast %and3A_69 : vector<16xi32> to vector<16xi32>
      tpu.vector_store %arg11[%swap3A_70], %swap3A_73 {strides = array<i32>} : memref<128xi32, #tpu.memory_space<vmem>>, vector<16xi32>,
      %shift_right_arithmetic3A_74 = arith.constant 7 : i32
      %shift_right_arithmetic3A_75 = vector.broadcast %shift_right_arithmetic3A_74 : i32 to vector<16xi32>
      %shift_right_arithmetic3A_76 = arith.shrsi %get3A_66, %shift_right_arithmetic3A_75 : vector<16xi32>
      %swap3A_77 = arith.constant 0 : index
      %swap3A_78 = tpu.vector_load %arg12[%swap3A_77] {strides = array<i32>} : memref<128xi32, #tpu.memory_space<vmem>>, vector<16xi32>,
      %swap3A_79 = vector.shape_cast %swap3A_78 : vector<16xi32> to vector<16xi32>
      %swap3A_80 = vector.shape_cast %shift_right_arithmetic3A_76 : vector<16xi32> to vector<16xi32>
      tpu.vector_store %arg12[%swap3A_77], %swap3A_80 {strides = array<i32>} : memref<128xi32, #tpu.memory_space<vmem>>, vector<16xi32>,
      %get3A_81 = arith.constant 2 : i32
      %get3A_82 = arith.index_cast %get3A_81 : i32 to index
      %get3A_83 = arith.constant 16 : index
      %get3A_84 = tpu.vector_load %arg8[%get3A_82, %get3A_83] {strides = array<i32>} : memref<4x128xi32, #tpu.memory_space<vmem>>, vector<1x16xi32>,
      %get3A_85 = vector.shape_cast %get3A_84 : vector<1x16xi32> to vector<16xi32>
      %and3A_86 = arith.constant 127 : i32
      %and3A_87 = vector.broadcast %and3A_86 : i32 to vector<16xi32>
      %and3A_88 = arith.andi %get3A_85, %and3A_87 : vector<16xi32>
      %swap3A_89 = arith.constant 16 : index
      %swap3A_90 = tpu.vector_load %arg9[%swap3A_89] {strides = array<i32>} : memref<128xi32, #tpu.memory_space<vmem>>, vector<16xi32>,
      %swap3A_91 = vector.shape_cast %swap3A_90 : vector<16xi32> to vector<16xi32>
      %swap3A_92 = vector.shape_cast %and3A_88 : vector<16xi32> to vector<16xi32>
      tpu.vector_store %arg9[%swap3A_89], %swap3A_92 {strides = array<i32>} : memref<128xi32, #tpu.memory_space<vmem>>, vector<16xi32>,
      %shift_right_arithmetic3A_93 = arith.constant 7 : i32
      %shift_right_arithmetic3A_94 = vector.broadcast %shift_right_arithmetic3A_93 : i32 to vector<16xi32>
      %shift_right_arithmetic3A_95 = arith.shrsi %get3A_85, %shift_right_arithmetic3A_94 : vector<16xi32>
      %swap3A_96 = arith.constant 16 : index
      %swap3A_97 = tpu.vector_load %arg10[%swap3A_96] {strides = array<i32>} : memref<128xi32, #tpu.memory_space<vmem>>, vector<16xi32>,
      %swap3A_98 = vector.shape_cast %swap3A_97 : vector<16xi32> to vector<16xi32>
      %swap3A_99 = vector.shape_cast %shift_right_arithmetic3A_95 : vector<16xi32> to vector<16xi32>
      tpu.vector_store %arg10[%swap3A_96], %swap3A_99 {strides = array<i32>} : memref<128xi32, #tpu.memory_space<vmem>>, vector<16xi32>,
      %get3A_100 = arith.constant 3 : i32
      %get3A_101 = arith.index_cast %get3A_100 : i32 to index
      %get3A_102 = arith.constant 16 : index
      %get3A_103 = tpu.vector_load %arg8[%get3A_101, %get3A_102] {strides = array<i32>} : memref<4x128xi32, #tpu.memory_space<vmem>>, vector<1x16xi32>,
      %get3A_104 = vector.shape_cast %get3A_103 : vector<1x16xi32> to vector<16xi32>
      %and3A_105 = arith.constant 127 : i32
      %and3A_106 = vector.broadcast %and3A_105 : i32 to vector<16xi32>
      %and3A_107 = arith.andi %get3A_104, %and3A_106 : vector<16xi32>
      %swap3A_108 = arith.constant 16 : index
      %swap3A_109 = tpu.vector_load %arg11[%swap3A_108] {strides = array<i32>} : memref<128xi32, #tpu.memory_space<vmem>>, vector<16xi32>,
      %swap3A_110 = vector.shape_cast %swap3A_109 : vector<16xi32> to vector<16xi32>
      %swap3A_111 = vector.shape_cast %and3A_107 : vector<16xi32> to vector<16xi32>
      tpu.vector_store %arg11[%swap3A_108], %swap3A_111 {strides = array<i32>} : memref<128xi32, #tpu.memory_space<vmem>>, vector<16xi32>,
      %shift_right_arithmetic3A_112 = arith.constant 7 : i32
      %shift_right_arithmetic3A_113 = vector.broadcast %shift_right_arithmetic3A_112 : i32 to vector<16xi32>
      %shift_right_arithmetic3A_114 = arith.shrsi %get3A_104, %shift_right_arithmetic3A_113 : vector<16xi32>
      %swap3A_115 = arith.constant 16 : index
      %swap3A_116 = tpu.vector_load %arg12[%swap3A_115] {strides = array<i32>} : memref<128xi32, #tpu.memory_space<vmem>>, vector<16xi32>,
      %swap3A_117 = vector.shape_cast %swap3A_116 : vector<16xi32> to vector<16xi32>
      %swap3A_118 = vector.shape_cast %shift_right_arithmetic3A_114 : vector<16xi32> to vector<16xi32>
      tpu.vector_store %arg12[%swap3A_115], %swap3A_118 {strides = array<i32>} : memref<128xi32, #tpu.memory_space<vmem>>, vector<16xi32>,
      %get3A_119 = arith.constant 2 : i32
      %get3A_120 = arith.index_cast %get3A_119 : i32 to index
      %get3A_121 = arith.constant 32 : index
      %get3A_122 = tpu.vector_load %arg8[%get3A_120, %get3A_121] {strides = array<i32>} : memref<4x128xi32, #tpu.memory_space<vmem>>, vector<1x16xi32>,
      %get3A_123 = vector.shape_cast %get3A_122 : vector<1x16xi32> to vector<16xi32>
      %and3A_124 = arith.constant 127 : i32
      %and3A_125 = vector.broadcast %and3A_124 : i32 to vector<16xi32>
      %and3A_126 = arith.andi %get3A_123, %and3A_125 : vector<16xi32>
      %swap3A_127 = arith.constant 32 : index
      %swap3A_128 = tpu.vector_load %arg9[%swap3A_127] {strides = array<i32>} : memref<128xi32, #tpu.memory_space<vmem>>, vector<16xi32>,
      %swap3A_129 = vector.shape_cast %swap3A_128 : vector<16xi32> to vector<16xi32>
      %swap3A_130 = vector.shape_cast %and3A_126 : vector<16xi32> to vector<16xi32>
      tpu.vector_store %arg9[%swap3A_127], %swap3A_130 {strides = array<i32>} : memref<128xi32, #tpu.memory_space<vmem>>, vector<16xi32>,
      %shift_right_arithmetic3A_131 = arith.constant 7 : i32
      %shift_right_arithmetic3A_132 = vector.broadcast %shift_right_arithmetic3A_131 : i32 to vector<16xi32>
      %shift_right_arithmetic3A_133 = arith.shrsi %get3A_123, %shift_right_arithmetic3A_132 : vector<16xi32>
      %swap3A_134 = arith.constant 32 : index
      %swap3A_135 = tpu.vector_load %arg10[%swap3A_134] {strides = array<i32>} : memref<128xi32, #tpu.memory_space<vmem>>, vector<16xi32>,
      %swap3A_136 = vector.shape_cast %swap3A_135 : vector<16xi32> to vector<16xi32>
      %swap3A_137 = vector.shape_cast %shift_right_arithmetic3A_133 : vector<16xi32> to vector<16xi32>
      tpu.vector_store %arg10[%swap3A_134], %swap3A_137 {strides = array<i32>} : memref<128xi32, #tpu.memory_space<vmem>>, vector<16xi32>,
      %get3A_138 = arith.constant 3 : i32
      %get3A_139 = arith.index_cast %get3A_138 : i32 to index
      %get3A_140 = arith.constant 32 : index
      %get3A_141 = tpu.vector_load %arg8[%get3A_139, %get3A_140] {strides = array<i32>} : memref<4x128xi32, #tpu.memory_space<vmem>>, vector<1x16xi32>,
      %get3A_142 = vector.shape_cast %get3A_141 : vector<1x16xi32> to vector<16xi32>
      %and3A_143 = arith.constant 127 : i32
      %and3A_144 = vector.broadcast %and3A_143 : i32 to vector<16xi32>
      %and3A_145 = arith.andi %get3A_142, %and3A_144 : vector<16xi32>
      %swap3A_146 = arith.constant 32 : index
      %swap3A_147 = tpu.vector_load %arg11[%swap3A_146] {strides = array<i32>} : memref<128xi32, #tpu.memory_space<vmem>>, vector<16xi32>,
      %swap3A_148 = vector.shape_cast %swap3A_147 : vector<16xi32> to vector<16xi32>
      %swap3A_149 = vector.shape_cast %and3A_145 : vector<16xi32> to vector<16xi32>
      tpu.vector_store %arg11[%swap3A_146], %swap3A_149 {strides = array<i32>} : memref<128xi32, #tpu.memory_space<vmem>>, vector<16xi32>,
      %shift_right_arithmetic3A_150 = arith.constant 7 : i32
      %shift_right_arithmetic3A_151 = vector.broadcast %shift_right_arithmetic3A_150 : i32 to vector<16xi32>
      %shift_right_arithmetic3A_152 = arith.shrsi %get3A_142, %shift_right_arithmetic3A_151 : vector<16xi32>
      %swap3A_153 = arith.constant 32 : index
      %swap3A_154 = tpu.vector_load %arg12[%swap3A_153] {strides = array<i32>} : memref<128xi32, #tpu.memory_space<vmem>>, vector<16xi32>,
      %swap3A_155 = vector.shape_cast %swap3A_154 : vector<16xi32> to vector<16xi32>
      %swap3A_156 = vector.shape_cast %shift_right_arithmetic3A_152 : vector<16xi32> to vector<16xi32>
      tpu.vector_store %arg12[%swap3A_153], %swap3A_156 {strides = array<i32>} : memref<128xi32, #tpu.memory_space<vmem>>, vector<16xi32>,
      %get3A_157 = arith.constant 2 : i32
      %get3A_158 = arith.index_cast %get3A_157 : i32 to index
      %get3A_159 = arith.constant 48 : index
      %get3A_160 = tpu.vector_load %arg8[%get3A_158, %get3A_159] {strides = array<i32>} : memref<4x128xi32, #tpu.memory_space<vmem>>, vector<1x16xi32>,
      %get3A_161 = vector.shape_cast %get3A_160 : vector<1x16xi32> to vector<16xi32>
      %and3A_162 = arith.constant 127 : i32
      %and3A_163 = vector.broadcast %and3A_162 : i32 to vector<16xi32>
      %and3A_164 = arith.andi %get3A_161, %and3A_163 : vector<16xi32>
      %swap3A_165 = arith.constant 48 : index
      %swap3A_166 = tpu.vector_load %arg9[%swap3A_165] {strides = array<i32>} : memref<128xi32, #tpu.memory_space<vmem>>, vector<16xi32>,
      %swap3A_167 = vector.shape_cast %swap3A_166 : vector<16xi32> to vector<16xi32>
      %swap3A_168 = vector.shape_cast %and3A_164 : vector<16xi32> to vector<16xi32>
      tpu.vector_store %arg9[%swap3A_165], %swap3A_168 {strides = array<i32>} : memref<128xi32, #tpu.memory_space<vmem>>, vector<16xi32>,
      %shift_right_arithmetic3A_169 = arith.constant 7 : i32
      %shift_right_arithmetic3A_170 = vector.broadcast %shift_right_arithmetic3A_169 : i32 to vector<16xi32>
      %shift_right_arithmetic3A_171 = arith.shrsi %get3A_161, %shift_right_arithmetic3A_170 : vector<16xi32>
      %swap3A_172 = arith.constant 48 : index
      %swap3A_173 = tpu.vector_load %arg10[%swap3A_172] {strides = array<i32>} : memref<128xi32, #tpu.memory_space<vmem>>, vector<16xi32>,
      %swap3A_174 = vector.shape_cast %swap3A_173 : vector<16xi32> to vector<16xi32>
      %swap3A_175 = vector.shape_cast %shift_right_arithmetic3A_171 : vector<16xi32> to vector<16xi32>
      tpu.vector_store %arg10[%swap3A_172], %swap3A_175 {strides = array<i32>} : memref<128xi32, #tpu.memory_space<vmem>>, vector<16xi32>,
      %get3A_176 = arith.constant 3 : i32
      %get3A_177 = arith.index_cast %get3A_176 : i32 to index
      %get3A_178 = arith.constant 48 : index
      %get3A_179 = tpu.vector_load %arg8[%get3A_177, %get3A_178] {strides = array<i32>} : memref<4x128xi32, #tpu.memory_space<vmem>>, vector<1x16xi32>,
      %get3A_180 = vector.shape_cast %get3A_179 : vector<1x16xi32> to vector<16xi32>
      %and3A_181 = arith.constant 127 : i32
      %and3A_182 = vector.broadcast %and3A_181 : i32 to vector<16xi32>
      %and3A_183 = arith.andi %get3A_180, %and3A_182 : vector<16xi32>
      %swap3A_184 = arith.constant 48 : index
      %swap3A_185 = tpu.vector_load %arg11[%swap3A_184] {strides = array<i32>} : memref<128xi32, #tpu.memory_space<vmem>>, vector<16xi32>,
      %swap3A_186 = vector.shape_cast %swap3A_185 : vector<16xi32> to vector<16xi32>
      %swap3A_187 = vector.shape_cast %and3A_183 : vector<16xi32> to vector<16xi32>
      tpu.vector_store %arg11[%swap3A_184], %swap3A_187 {strides = array<i32>} : memref<128xi32, #tpu.memory_space<vmem>>, vector<16xi32>,
      %shift_right_arithmetic3A_188 = arith.constant 7 : i32
      %shift_right_arithmetic3A_189 = vector.broadcast %shift_right_arithmetic3A_188 : i32 to vector<16xi32>
      %shift_right_arithmetic3A_190 = arith.shrsi %get3A_180, %shift_right_arithmetic3A_189 : vector<16xi32>
      %swap3A_191 = arith.constant 48 : index
      %swap3A_192 = tpu.vector_load %arg12[%swap3A_191] {strides = array<i32>} : memref<128xi32, #tpu.memory_space<vmem>>, vector<16xi32>,
      %swap3A_193 = vector.shape_cast %swap3A_192 : vector<16xi32> to vector<16xi32>
      %swap3A_194 = vector.shape_cast %shift_right_arithmetic3A_190 : vector<16xi32> to vector<16xi32>
      tpu.vector_store %arg12[%swap3A_191], %swap3A_194 {strides = array<i32>} : memref<128xi32, #tpu.memory_space<vmem>>, vector<16xi32>,
      %get3A_195 = arith.constant 2 : i32
      %get3A_196 = arith.index_cast %get3A_195 : i32 to index
      %get3A_197 = arith.constant 64 : index
      %get3A_198 = tpu.vector_load %arg8[%get3A_196, %get3A_197] {strides = array<i32>} : memref<4x128xi32, #tpu.memory_space<vmem>>, vector<1x16xi32>,
      %get3A_199 = vector.shape_cast %get3A_198 : vector<1x16xi32> to vector<16xi32>
      %and3A_200 = arith.constant 127 : i32
      %and3A_201 = vector.broadcast %and3A_200 : i32 to vector<16xi32>
      %and3A_202 = arith.andi %get3A_199, %and3A_201 : vector<16xi32>
      %swap3A_203 = arith.constant 64 : index
      %swap3A_204 = tpu.vector_load %arg9[%swap3A_203] {strides = array<i32>} : memref<128xi32, #tpu.memory_space<vmem>>, vector<16xi32>,
      %swap3A_205 = vector.shape_cast %swap3A_204 : vector<16xi32> to vector<16xi32>
      %swap3A_206 = vector.shape_cast %and3A_202 : vector<16xi32> to vector<16xi32>
      tpu.vector_store %arg9[%swap3A_203], %swap3A_206 {strides = array<i32>} : memref<128xi32, #tpu.memory_space<vmem>>, vector<16xi32>,
      %shift_right_arithmetic3A_207 = arith.constant 7 : i32
      %shift_right_arithmetic3A_208 = vector.broadcast %shift_right_arithmetic3A_207 : i32 to vector<16xi32>
      %shift_right_arithmetic3A_209 = arith.shrsi %get3A_199, %shift_right_arithmetic3A_208 : vector<16xi32>
      %swap3A_210 = arith.constant 64 : index
      %swap3A_211 = tpu.vector_load %arg10[%swap3A_210] {strides = array<i32>} : memref<128xi32, #tpu.memory_space<vmem>>, vector<16xi32>,
      %swap3A_212 = vector.shape_cast %swap3A_211 : vector<16xi32> to vector<16xi32>
      %swap3A_213 = vector.shape_cast %shift_right_arithmetic3A_209 : vector<16xi32> to vector<16xi32>
      tpu.vector_store %arg10[%swap3A_210], %swap3A_213 {strides = array<i32>} : memref<128xi32, #tpu.memory_space<vmem>>, vector<16xi32>,
      %get3A_214 = arith.constant 3 : i32
      %get3A_215 = arith.index_cast %get3A_214 : i32 to index
      %get3A_216 = arith.constant 64 : index
      %get3A_217 = tpu.vector_load %arg8[%get3A_215, %get3A_216] {strides = array<i32>} : memref<4x128xi32, #tpu.memory_space<vmem>>, vector<1x16xi32>,
      %get3A_218 = vector.shape_cast %get3A_217 : vector<1x16xi32> to vector<16xi32>
      %and3A_219 = arith.constant 127 : i32
      %and3A_220 = vector.broadcast %and3A_219 : i32 to vector<16xi32>
      %and3A_221 = arith.andi %get3A_218, %and3A_220 : vector<16xi32>
      %swap3A_222 = arith.constant 64 : index
      %swap3A_223 = tpu.vector_load %arg11[%swap3A_222] {strides = array<i32>} : memref<128xi32, #tpu.memory_space<vmem>>, vector<16xi32>,
      %swap3A_224 = vector.shape_cast %swap3A_223 : vector<16xi32> to vector<16xi32>
      %swap3A_225 = vector.shape_cast %and3A_221 : vector<16xi32> to vector<16xi32>
      tpu.vector_store %arg11[%swap3A_222], %swap3A_225 {strides = array<i32>} : memref<128xi32, #tpu.memory_space<vmem>>, vector<16xi32>,
      %shift_right_arithmetic3A_226 = arith.constant 7 : i32
      %shift_right_arithmetic3A_227 = vector.broadcast %shift_right_arithmetic3A_226 : i32 to vector<16xi32>
      %shift_right_arithmetic3A_228 = arith.shrsi %get3A_218, %shift_right_arithmetic3A_227 : vector<16xi32>
      %swap3A_229 = arith.constant 64 : index
      %swap3A_230 = tpu.vector_load %arg12[%swap3A_229] {strides = array<i32>} : memref<128xi32, #tpu.memory_space<vmem>>, vector<16xi32>,
      %swap3A_231 = vector.shape_cast %swap3A_230 : vector<16xi32> to vector<16xi32>
      %swap3A_232 = vector.shape_cast %shift_right_arithmetic3A_228 : vector<16xi32> to vector<16xi32>
      tpu.vector_store %arg12[%swap3A_229], %swap3A_232 {strides = array<i32>} : memref<128xi32, #tpu.memory_space<vmem>>, vector<16xi32>,
      %get3A_233 = arith.constant 2 : i32
      %get3A_234 = arith.index_cast %get3A_233 : i32 to index
      %get3A_235 = arith.constant 80 : index
      %get3A_236 = tpu.vector_load %arg8[%get3A_234, %get3A_235] {strides = array<i32>} : memref<4x128xi32, #tpu.memory_space<vmem>>, vector<1x16xi32>,
      %get3A_237 = vector.shape_cast %get3A_236 : vector<1x16xi32> to vector<16xi32>
      %and3A_238 = arith.constant 127 : i32
      %and3A_239 = vector.broadcast %and3A_238 : i32 to vector<16xi32>
      %and3A_240 = arith.andi %get3A_237, %and3A_239 : vector<16xi32>
      %swap3A_241 = arith.constant 80 : index
      %swap3A_242 = tpu.vector_load %arg9[%swap3A_241] {strides = array<i32>} : memref<128xi32, #tpu.memory_space<vmem>>, vector<16xi32>,
      %swap3A_243 = vector.shape_cast %swap3A_242 : vector<16xi32> to vector<16xi32>
      %swap3A_244 = vector.shape_cast %and3A_240 : vector<16xi32> to vector<16xi32>
      tpu.vector_store %arg9[%swap3A_241], %swap3A_244 {strides = array<i32>} : memref<128xi32, #tpu.memory_space<vmem>>, vector<16xi32>,
      %shift_right_arithmetic3A_245 = arith.constant 7 : i32
      %shift_right_arithmetic3A_246 = vector.broadcast %shift_right_arithmetic3A_245 : i32 to vector<16xi32>
      %shift_right_arithmetic3A_247 = arith.shrsi %get3A_237, %shift_right_arithmetic3A_246 : vector<16xi32>
      %swap3A_248 = arith.constant 80 : index
      %swap3A_249 = tpu.vector_load %arg10[%swap3A_248] {strides = array<i32>} : memref<128xi32, #tpu.memory_space<vmem>>, vector<16xi32>,
      %swap3A_250 = vector.shape_cast %swap3A_249 : vector<16xi32> to vector<16xi32>
      %swap3A_251 = vector.shape_cast %shift_right_arithmetic3A_247 : vector<16xi32> to vector<16xi32>
      tpu.vector_store %arg10[%swap3A_248], %swap3A_251 {strides = array<i32>} : memref<128xi32, #tpu.memory_space<vmem>>, vector<16xi32>,
      %get3A_252 = arith.constant 3 : i32
      %get3A_253 = arith.index_cast %get3A_252 : i32 to index
      %get3A_254 = arith.constant 80 : index
      %get3A_255 = tpu.vector_load %arg8[%get3A_253, %get3A_254] {strides = array<i32>} : memref<4x128xi32, #tpu.memory_space<vmem>>, vector<1x16xi32>,
      %get3A_256 = vector.shape_cast %get3A_255 : vector<1x16xi32> to vector<16xi32>
      %and3A_257 = arith.constant 127 : i32
      %and3A_258 = vector.broadcast %and3A_257 : i32 to vector<16xi32>
      %and3A_259 = arith.andi %get3A_256, %and3A_258 : vector<16xi32>
      %swap3A_260 = arith.constant 80 : index
      %swap3A_261 = tpu.vector_load %arg11[%swap3A_260] {strides = array<i32>} : memref<128xi32, #tpu.memory_space<vmem>>, vector<16xi32>,
      %swap3A_262 = vector.shape_cast %swap3A_261 : vector<16xi32> to vector<16xi32>
      %swap3A_263 = vector.shape_cast %and3A_259 : vector<16xi32> to vector<16xi32>
      tpu.vector_store %arg11[%swap3A_260], %swap3A_263 {strides = array<i32>} : memref<128xi32, #tpu.memory_space<vmem>>, vector<16xi32>,
      %shift_right_arithmetic3A_264 = arith.constant 7 : i32
      %shift_right_arithmetic3A_265 = vector.broadcast %shift_right_arithmetic3A_264 : i32 to vector<16xi32>
      %shift_right_arithmetic3A_266 = arith.shrsi %get3A_256, %shift_right_arithmetic3A_265 : vector<16xi32>
      %swap3A_267 = arith.constant 80 : index
      %swap3A_268 = tpu.vector_load %arg12[%swap3A_267] {strides = array<i32>} : memref<128xi32, #tpu.memory_space<vmem>>, vector<16xi32>,
      %swap3A_269 = vector.shape_cast %swap3A_268 : vector<16xi32> to vector<16xi32>
      %swap3A_270 = vector.shape_cast %shift_right_arithmetic3A_266 : vector<16xi32> to vector<16xi32>
      tpu.vector_store %arg12[%swap3A_267], %swap3A_270 {strides = array<i32>} : memref<128xi32, #tpu.memory_space<vmem>>, vector<16xi32>,
      %get3A_271 = arith.constant 2 : i32
      %get3A_272 = arith.index_cast %get3A_271 : i32 to index
      %get3A_273 = arith.constant 96 : index
      %get3A_274 = tpu.vector_load %arg8[%get3A_272, %get3A_273] {strides = array<i32>} : memref<4x128xi32, #tpu.memory_space<vmem>>, vector<1x16xi32>,
      %get3A_275 = vector.shape_cast %get3A_274 : vector<1x16xi32> to vector<16xi32>
      %and3A_276 = arith.constant 127 : i32
      %and3A_277 = vector.broadcast %and3A_276 : i32 to vector<16xi32>
      %and3A_278 = arith.andi %get3A_275, %and3A_277 : vector<16xi32>
      %swap3A_279 = arith.constant 96 : index
      %swap3A_280 = tpu.vector_load %arg9[%swap3A_279] {strides = array<i32>} : memref<128xi32, #tpu.memory_space<vmem>>, vector<16xi32>,
      %swap3A_281 = vector.shape_cast %swap3A_280 : vector<16xi32> to vector<16xi32>
      %swap3A_282 = vector.shape_cast %and3A_278 : vector<16xi32> to vector<16xi32>
      tpu.vector_store %arg9[%swap3A_279], %swap3A_282 {strides = array<i32>} : memref<128xi32, #tpu.memory_space<vmem>>, vector<16xi32>,
      %shift_right_arithmetic3A_283 = arith.constant 7 : i32
      %shift_right_arithmetic3A_284 = vector.broadcast %shift_right_arithmetic3A_283 : i32 to vector<16xi32>
      %shift_right_arithmetic3A_285 = arith.shrsi %get3A_275, %shift_right_arithmetic3A_284 : vector<16xi32>
      %swap3A_286 = arith.constant 96 : index
      %swap3A_287 = tpu.vector_load %arg10[%swap3A_286] {strides = array<i32>} : memref<128xi32, #tpu.memory_space<vmem>>, vector<16xi32>,
      %swap3A_288 = vector.shape_cast %swap3A_287 : vector<16xi32> to vector<16xi32>
      %swap3A_289 = vector.shape_cast %shift_right_arithmetic3A_285 : vector<16xi32> to vector<16xi32>
      tpu.vector_store %arg10[%swap3A_286], %swap3A_289 {strides = array<i32>} : memref<128xi32, #tpu.memory_space<vmem>>, vector<16xi32>,
      %get3A_290 = arith.constant 3 : i32
      %get3A_291 = arith.index_cast %get3A_290 : i32 to index
      %get3A_292 = arith.constant 96 : index
      %get3A_293 = tpu.vector_load %arg8[%get3A_291, %get3A_292] {strides = array<i32>} : memref<4x128xi32, #tpu.memory_space<vmem>>, vector<1x16xi32>,
      %get3A_294 = vector.shape_cast %get3A_293 : vector<1x16xi32> to vector<16xi32>
      %and3A_295 = arith.constant 127 : i32
      %and3A_296 = vector.broadcast %and3A_295 : i32 to vector<16xi32>
      %and3A_297 = arith.andi %get3A_294, %and3A_296 : vector<16xi32>
      %swap3A_298 = arith.constant 96 : index
      %swap3A_299 = tpu.vector_load %arg11[%swap3A_298] {strides = array<i32>} : memref<128xi32, #tpu.memory_space<vmem>>, vector<16xi32>,
      %swap3A_300 = vector.shape_cast %swap3A_299 : vector<16xi32> to vector<16xi32>
      %swap3A_301 = vector.shape_cast %and3A_297 : vector<16xi32> to vector<16xi32>
      tpu.vector_store %arg11[%swap3A_298], %swap3A_301 {strides = array<i32>} : memref<128xi32, #tpu.memory_space<vmem>>, vector<16xi32>,
      %shift_right_arithmetic3A_302 = arith.constant 7 : i32
      %shift_right_arithmetic3A_303 = vector.broadcast %shift_right_arithmetic3A_302 : i32 to vector<16xi32>
      %shift_right_arithmetic3A_304 = arith.shrsi %get3A_294, %shift_right_arithmetic3A_303 : vector<16xi32>
      %swap3A_305 = arith.constant 96 : index
      %swap3A_306 = tpu.vector_load %arg12[%swap3A_305] {strides = array<i32>} : memref<128xi32, #tpu.memory_space<vmem>>, vector<16xi32>,
      %swap3A_307 = vector.shape_cast %swap3A_306 : vector<16xi32> to vector<16xi32>
      %swap3A_308 = vector.shape_cast %shift_right_arithmetic3A_304 : vector<16xi32> to vector<16xi32>
      tpu.vector_store %arg12[%swap3A_305], %swap3A_308 {strides = array<i32>} : memref<128xi32, #tpu.memory_space<vmem>>, vector<16xi32>,
      %get3A_309 = arith.constant 2 : i32
      %get3A_310 = arith.index_cast %get3A_309 : i32 to index
      %get3A_311 = arith.constant 112 : index
      %get3A_312 = tpu.vector_load %arg8[%get3A_310, %get3A_311] {strides = array<i32>} : memref<4x128xi32, #tpu.memory_space<vmem>>, vector<1x16xi32>,
      %get3A_313 = vector.shape_cast %get3A_312 : vector<1x16xi32> to vector<16xi32>
      %and3A_314 = arith.constant 127 : i32
      %and3A_315 = vector.broadcast %and3A_314 : i32 to vector<16xi32>
      %and3A_316 = arith.andi %get3A_313, %and3A_315 : vector<16xi32>
      %swap3A_317 = arith.constant 112 : index
      %swap3A_318 = tpu.vector_load %arg9[%swap3A_317] {strides = array<i32>} : memref<128xi32, #tpu.memory_space<vmem>>, vector<16xi32>,
      %swap3A_319 = vector.shape_cast %swap3A_318 : vector<16xi32> to vector<16xi32>
      %swap3A_320 = vector.shape_cast %and3A_316 : vector<16xi32> to vector<16xi32>
      tpu.vector_store %arg9[%swap3A_317], %swap3A_320 {strides = array<i32>} : memref<128xi32, #tpu.memory_space<vmem>>, vector<16xi32>,
      %shift_right_arithmetic3A_321 = arith.constant 7 : i32
      %shift_right_arithmetic3A_322 = vector.broadcast %shift_right_arithmetic3A_321 : i32 to vector<16xi32>
      %shift_right_arithmetic3A_323 = arith.shrsi %get3A_313, %shift_right_arithmetic3A_322 : vector<16xi32>
      %swap3A_324 = arith.constant 112 : index
      %swap3A_325 = tpu.vector_load %arg10[%swap3A_324] {strides = array<i32>} : memref<128xi32, #tpu.memory_space<vmem>>, vector<16xi32>,
      %swap3A_326 = vector.shape_cast %swap3A_325 : vector<16xi32> to vector<16xi32>
      %swap3A_327 = vector.shape_cast %shift_right_arithmetic3A_323 : vector<16xi32> to vector<16xi32>
      tpu.vector_store %arg10[%swap3A_324], %swap3A_327 {strides = array<i32>} : memref<128xi32, #tpu.memory_space<vmem>>, vector<16xi32>,
      %get3A_328 = arith.constant 3 : i32
      %get3A_329 = arith.index_cast %get3A_328 : i32 to index
      %get3A_330 = arith.constant 112 : index
      %get3A_331 = tpu.vector_load %arg8[%get3A_329, %get3A_330] {strides = array<i32>} : memref<4x128xi32, #tpu.memory_space<vmem>>, vector<1x16xi32>,
      %get3A_332 = vector.shape_cast %get3A_331 : vector<1x16xi32> to vector<16xi32>
      %and3A_333 = arith.constant 127 : i32
      %and3A_334 = vector.broadcast %and3A_333 : i32 to vector<16xi32>
      %and3A_335 = arith.andi %get3A_332, %and3A_334 : vector<16xi32>
      %swap3A_336 = arith.constant 112 : index
      %swap3A_337 = tpu.vector_load %arg11[%swap3A_336] {strides = array<i32>} : memref<128xi32, #tpu.memory_space<vmem>>, vector<16xi32>,
      %swap3A_338 = vector.shape_cast %swap3A_337 : vector<16xi32> to vector<16xi32>
      %swap3A_339 = vector.shape_cast %and3A_335 : vector<16xi32> to vector<16xi32>
      tpu.vector_store %arg11[%swap3A_336], %swap3A_339 {strides = array<i32>} : memref<128xi32, #tpu.memory_space<vmem>>, vector<16xi32>,
      %shift_right_arithmetic3A_340 = arith.constant 7 : i32
      %shift_right_arithmetic3A_341 = vector.broadcast %shift_right_arithmetic3A_340 : i32 to vector<16xi32>
      %shift_right_arithmetic3A_342 = arith.shrsi %get3A_332, %shift_right_arithmetic3A_341 : vector<16xi32>
      %swap3A_343 = arith.constant 112 : index
      %swap3A_344 = tpu.vector_load %arg12[%swap3A_343] {strides = array<i32>} : memref<128xi32, #tpu.memory_space<vmem>>, vector<16xi32>,
      %swap3A_345 = vector.shape_cast %swap3A_344 : vector<16xi32> to vector<16xi32>
      %swap3A_346 = vector.shape_cast %shift_right_arithmetic3A_342 : vector<16xi32> to vector<16xi32>
      tpu.vector_store %arg12[%swap3A_343], %swap3A_346 {strides = array<i32>} : memref<128xi32, #tpu.memory_space<vmem>>, vector<16xi32>,
      %dma_wait3A = arith.constant 0 : i32
      %dma_wait3A_347 = arith.constant 0 : i32
      %dma_wait3A_348 = tpu.memref_slice %arg8[%dma_wait3A, %dma_wait3A_347] : memref<4x128xi32, #tpu.memory_space<vmem>> -> memref<1x128xi32, #tpu.memory_space<vmem>>
      %dma_wait3A_349 = tpu.memref_squeeze %dma_wait3A_348 : memref<1x128xi32, #tpu.memory_space<vmem>> -> memref<128xi32, #tpu.memory_space<vmem>>
      %dma_wait3A_350 = arith.constant 0 : i32
      %dma_wait3A_351 = arith.constant 0 : i32
      %dma_wait3A_352 = tpu.memref_slice %arg2[%dma_wait3A_350, %dma_wait3A_351] : memref<10000x128xf32, #tpu.memory_space<hbm>> -> memref<10000x128xf32, #tpu.memory_space<hbm>>
      tpu.wait_indirect_dma semaphore(%arg18 : memref<!tpu.dma_semaphore, #tpu.memory_space<semaphore_mem>>) src(%dma_wait3A_352 : memref<10000x128xf32, #tpu.memory_space<hbm>>) dst(%arg13 : memref<128x128xf32, #tpu.memory_space<vmem>>)
      %run_scoped3A = arith.constant 2 : i32
      "tpu.region"() ({
        %run_scoped3A_373 = tpu.sem_alloc : memref<!tpu.dma_semaphore, #tpu.memory_space<semaphore_mem>>
        %dma_start3A_374 = arith.constant 0 : i32
        %dma_start3A_375 = tpu.memref_slice %arg8[%run_scoped3A, %dma_start3A_374] : memref<4x128xi32, #tpu.memory_space<vmem>> -> memref<1x128xi32, #tpu.memory_space<vmem>>
        %dma_start3A_376 = tpu.memref_squeeze %dma_start3A_375 : memref<1x128xi32, #tpu.memory_space<vmem>> -> memref<128xi32, #tpu.memory_space<vmem>>
        %dma_start3A_377 = arith.constant 0 : i32
        %dma_start3A_378 = arith.constant 0 : i32
        %dma_start3A_379 = tpu.memref_slice %arg15[%dma_start3A_377, %dma_start3A_378] : memref<10112x128xf32, #tpu.memory_space<vmem_shared>> -> memref<10112x128xf32, #tpu.memory_space<vmem_shared>>
        tpu.enqueue_indirect_dma source(%arg13 : memref<128x128xf32, #tpu.memory_space<vmem>>) target(%dma_start3A_379 : memref<10112x128xf32, #tpu.memory_space<vmem_shared>>) offsets(%dma_start3A_376 : memref<128xi32, #tpu.memory_space<vmem>>) semaphore(%run_scoped3A_373 : memref<!tpu.dma_semaphore, #tpu.memory_space<semaphore_mem>>) {add = true}
        %dma_wait3A_380 = arith.constant 0 : i32
        %dma_wait3A_381 = tpu.memref_slice %arg8[%run_scoped3A, %dma_wait3A_380] : memref<4x128xi32, #tpu.memory_space<vmem>> -> memref<1x128xi32, #tpu.memory_space<vmem>>
        %dma_wait3A_382 = tpu.memref_squeeze %dma_wait3A_381 : memref<1x128xi32, #tpu.memory_space<vmem>> -> memref<128xi32, #tpu.memory_space<vmem>>
        %dma_wait3A_383 = arith.constant 0 : i32
        %dma_wait3A_384 = arith.constant 0 : i32
        %dma_wait3A_385 = tpu.memref_slice %arg15[%dma_wait3A_383, %dma_wait3A_384] : memref<10112x128xf32, #tpu.memory_space<vmem_shared>> -> memref<10112x128xf32, #tpu.memory_space<vmem_shared>>
        tpu.wait_indirect_dma semaphore(%run_scoped3A_373 : memref<!tpu.dma_semaphore, #tpu.memory_space<semaphore_mem>>) src(%arg13 : memref<128x128xf32, #tpu.memory_space<vmem>>) dst(%dma_wait3A_385 : memref<10112x128xf32, #tpu.memory_space<vmem_shared>>)
        tpu.yield
      }) : () -> ()
      %dma_start3A_353 = arith.constant 0 : i32
      %dma_start3A_354 = arith.constant 0 : i32
      %dma_start3A_355 = tpu.memref_slice %arg17[%dma_start3A_353, %dma_start3A_354] : memref<128x128xf32, #tpu.memory_space<vmem_shared>> -> memref<128x128xf32, #tpu.memory_space<vmem_shared>>
      tpu.enqueue_indirect_dma source(%dma_start3A_355 : memref<128x128xf32, #tpu.memory_space<vmem_shared>>) target(%arg13 : memref<128x128xf32, #tpu.memory_space<vmem>>) offsets(%arg9 : memref<128xi32, #tpu.memory_space<vmem>>) semaphore(%arg20 : memref<!tpu.dma_semaphore, #tpu.memory_space<semaphore_mem>>)
      %dma_wait3A_356 = arith.constant 1 : i32
      %dma_wait3A_357 = arith.constant 0 : i32
      %dma_wait3A_358 = tpu.memref_slice %arg8[%dma_wait3A_356, %dma_wait3A_357] : memref<4x128xi32, #tpu.memory_space<vmem>> -> memref<1x128xi32, #tpu.memory_space<vmem>>
      %dma_wait3A_359 = tpu.memref_squeeze %dma_wait3A_358 : memref<1x128xi32, #tpu.memory_space<vmem>> -> memref<128xi32, #tpu.memory_space<vmem>>
      %dma_wait3A_360 = arith.constant 0 : i32
      %dma_wait3A_361 = arith.constant 0 : i32
      %dma_wait3A_362 = tpu.memref_slice %arg2[%dma_wait3A_360, %dma_wait3A_361] : memref<10000x128xf32, #tpu.memory_space<hbm>> -> memref<10000x128xf32, #tpu.memory_space<hbm>>
      tpu.wait_indirect_dma semaphore(%arg19 : memref<!tpu.dma_semaphore, #tpu.memory_space<semaphore_mem>>) src(%dma_wait3A_362 : memref<10000x128xf32, #tpu.memory_space<hbm>>) dst(%arg14 : memref<128x128xf32, #tpu.memory_space<vmem>>)
      %run_scoped3A_363 = arith.constant 3 : i32
      "tpu.region"() ({
        %run_scoped3A_373 = tpu.sem_alloc : memref<!tpu.dma_semaphore, #tpu.memory_space<semaphore_mem>>
        %dma_start3A_374 = arith.constant 0 : i32
        %dma_start3A_375 = tpu.memref_slice %arg8[%run_scoped3A_363, %dma_start3A_374] : memref<4x128xi32, #tpu.memory_space<vmem>> -> memref<1x128xi32, #tpu.memory_space<vmem>>
        %dma_start3A_376 = tpu.memref_squeeze %dma_start3A_375 : memref<1x128xi32, #tpu.memory_space<vmem>> -> memref<128xi32, #tpu.memory_space<vmem>>
        %dma_start3A_377 = arith.constant 0 : i32
        %dma_start3A_378 = arith.constant 0 : i32
        %dma_start3A_379 = tpu.memref_slice %arg15[%dma_start3A_377, %dma_start3A_378] : memref<10112x128xf32, #tpu.memory_space<vmem_shared>> -> memref<10112x128xf32, #tpu.memory_space<vmem_shared>>
        tpu.enqueue_indirect_dma source(%arg14 : memref<128x128xf32, #tpu.memory_space<vmem>>) target(%dma_start3A_379 : memref<10112x128xf32, #tpu.memory_space<vmem_shared>>) offsets(%dma_start3A_376 : memref<128xi32, #tpu.memory_space<vmem>>) semaphore(%run_scoped3A_373 : memref<!tpu.dma_semaphore, #tpu.memory_space<semaphore_mem>>) {add = true}
        %dma_wait3A_380 = arith.constant 0 : i32
        %dma_wait3A_381 = tpu.memref_slice %arg8[%run_scoped3A_363, %dma_wait3A_380] : memref<4x128xi32, #tpu.memory_space<vmem>> -> memref<1x128xi32, #tpu.memory_space<vmem>>
        %dma_wait3A_382 = tpu.memref_squeeze %dma_wait3A_381 : memref<1x128xi32, #tpu.memory_space<vmem>> -> memref<128xi32, #tpu.memory_space<vmem>>
        %dma_wait3A_383 = arith.constant 0 : i32
        %dma_wait3A_384 = arith.constant 0 : i32
        %dma_wait3A_385 = tpu.memref_slice %arg15[%dma_wait3A_383, %dma_wait3A_384] : memref<10112x128xf32, #tpu.memory_space<vmem_shared>> -> memref<10112x128xf32, #tpu.memory_space<vmem_shared>>
        tpu.wait_indirect_dma semaphore(%run_scoped3A_373 : memref<!tpu.dma_semaphore, #tpu.memory_space<semaphore_mem>>) src(%arg14 : memref<128x128xf32, #tpu.memory_space<vmem>>) dst(%dma_wait3A_385 : memref<10112x128xf32, #tpu.memory_space<vmem_shared>>)
        tpu.yield
      }) : () -> ()
      %dma_start3A_364 = arith.constant 0 : i32
      %dma_start3A_365 = arith.constant 0 : i32
      %dma_start3A_366 = tpu.memref_slice %arg17[%dma_start3A_364, %dma_start3A_365] : memref<128x128xf32, #tpu.memory_space<vmem_shared>> -> memref<128x128xf32, #tpu.memory_space<vmem_shared>>
      tpu.enqueue_indirect_dma source(%dma_start3A_366 : memref<128x128xf32, #tpu.memory_space<vmem_shared>>) target(%arg14 : memref<128x128xf32, #tpu.memory_space<vmem>>) offsets(%arg11 : memref<128xi32, #tpu.memory_space<vmem>>) semaphore(%arg21 : memref<!tpu.dma_semaphore, #tpu.memory_space<semaphore_mem>>)
      %dma_wait3A_367 = arith.constant 0 : i32
      %dma_wait3A_368 = arith.constant 0 : i32
      %dma_wait3A_369 = tpu.memref_slice %arg17[%dma_wait3A_367, %dma_wait3A_368] : memref<128x128xf32, #tpu.memory_space<vmem_shared>> -> memref<128x128xf32, #tpu.memory_space<vmem_shared>>
      tpu.wait_indirect_dma semaphore(%arg20 : memref<!tpu.dma_semaphore, #tpu.memory_space<semaphore_mem>>) src(%dma_wait3A_369 : memref<128x128xf32, #tpu.memory_space<vmem_shared>>) dst(%arg13 : memref<128x128xf32, #tpu.memory_space<vmem>>)
      "tpu.region"() ({
        %run_scoped3A_373 = tpu.sem_alloc : memref<!tpu.dma_semaphore, #tpu.memory_space<semaphore_mem>>
        %dma_start3A_374 = arith.constant 0 : i32
        %dma_start3A_375 = arith.constant 0 : i32
        %dma_start3A_376 = tpu.memref_slice %arg16[%dma_start3A_374, %dma_start3A_375] : memref<80x128xf32, #tpu.memory_space<vmem_shared>> -> memref<80x128xf32, #tpu.memory_space<vmem_shared>>
        tpu.enqueue_indirect_dma source(%arg13 : memref<128x128xf32, #tpu.memory_space<vmem>>) target(%dma_start3A_376 : memref<80x128xf32, #tpu.memory_space<vmem_shared>>) offsets(%arg10 : memref<128xi32, #tpu.memory_space<vmem>>) semaphore(%run_scoped3A_373 : memref<!tpu.dma_semaphore, #tpu.memory_space<semaphore_mem>>) {add = true}
        %dma_wait3A_377 = arith.constant 0 : i32
        %dma_wait3A_378 = arith.constant 0 : i32
        %dma_wait3A_379 = tpu.memref_slice %arg16[%dma_wait3A_377, %dma_wait3A_378] : memref<80x128xf32, #tpu.memory_space<vmem_shared>> -> memref<80x128xf32, #tpu.memory_space<vmem_shared>>
        tpu.wait_indirect_dma semaphore(%run_scoped3A_373 : memref<!tpu.dma_semaphore, #tpu.memory_space<semaphore_mem>>) src(%arg13 : memref<128x128xf32, #tpu.memory_space<vmem>>) dst(%dma_wait3A_379 : memref<80x128xf32, #tpu.memory_space<vmem_shared>>)
        tpu.yield
      }) : () -> ()
      %dma_wait3A_370 = arith.constant 0 : i32
      %dma_wait3A_371 = arith.constant 0 : i32
      %dma_wait3A_372 = tpu.memref_slice %arg17[%dma_wait3A_370, %dma_wait3A_371] : memref<128x128xf32, #tpu.memory_space<vmem_shared>> -> memref<128x128xf32, #tpu.memory_space<vmem_shared>>
      tpu.wait_indirect_dma semaphore(%arg21 : memref<!tpu.dma_semaphore, #tpu.memory_space<semaphore_mem>>) src(%dma_wait3A_372 : memref<128x128xf32, #tpu.memory_space<vmem_shared>>) dst(%arg14 : memref<128x128xf32, #tpu.memory_space<vmem>>)
      "tpu.region"() ({
        %run_scoped3A_373 = tpu.sem_alloc : memref<!tpu.dma_semaphore, #tpu.memory_space<semaphore_mem>>
        %dma_start3A_374 = arith.constant 0 : i32
        %dma_start3A_375 = arith.constant 0 : i32
        %dma_start3A_376 = tpu.memref_slice %arg16[%dma_start3A_374, %dma_start3A_375] : memref<80x128xf32, #tpu.memory_space<vmem_shared>> -> memref<80x128xf32, #tpu.memory_space<vmem_shared>>
        tpu.enqueue_indirect_dma source(%arg14 : memref<128x128xf32, #tpu.memory_space<vmem>>) target(%dma_start3A_376 : memref<80x128xf32, #tpu.memory_space<vmem_shared>>) offsets(%arg12 : memref<128xi32, #tpu.memory_space<vmem>>) semaphore(%run_scoped3A_373 : memref<!tpu.dma_semaphore, #tpu.memory_space<semaphore_mem>>) {add = true}
        %dma_wait3A_377 = arith.constant 0 : i32
        %dma_wait3A_378 = arith.constant 0 : i32
        %dma_wait3A_379 = tpu.memref_slice %arg16[%dma_wait3A_377, %dma_wait3A_378] : memref<80x128xf32, #tpu.memory_space<vmem_shared>> -> memref<80x128xf32, #tpu.memory_space<vmem_shared>>
        tpu.wait_indirect_dma semaphore(%run_scoped3A_373 : memref<!tpu.dma_semaphore, #tpu.memory_space<semaphore_mem>>) src(%arg14 : memref<128x128xf32, #tpu.memory_space<vmem>>) dst(%dma_wait3A_379 : memref<80x128xf32, #tpu.memory_space<vmem_shared>>)
        tpu.yield
      }) : () -> ()
    }
    %scan3A_16 = arith.constant 40 : i32
    %barrier3A_17 = arith.constant 0 : index
    tpu.barrier barrier_id(%barrier3A_17)
    %add3A_18 = arith.constant 0 : i32
    %add3A_19 = arith.addi %mul3A_0, %add3A_18 : i32
    "tpu.region"() ({
      %run_scoped3A = tpu.sem_alloc : memref<!tpu.dma_semaphore, #tpu.memory_space<semaphore_mem>>
      %dma_start3A = arith.constant 0 : i32
      %dma_start3A_33 = tpu.memref_slice %arg15[%add3A_19, %dma_start3A] : memref<10112x128xf32, #tpu.memory_space<vmem_shared>> -> memref<128x128xf32, #tpu.memory_space<vmem_shared>>
      %dma_start3A_34 = arith.constant 0 : i32
      %dma_start3A_35 = tpu.memref_slice %arg15[%add3A_19, %dma_start3A_34] : memref<10112x128xf32, #tpu.memory_space<vmem_shared>> -> memref<128x128xf32, #tpu.memory_space<vmem_shared>>
      tpu.enqueue_dma source(%dma_start3A_35 : memref<128x128xf32, #tpu.memory_space<vmem_shared>>) target(%arg13 : memref<128x128xf32, #tpu.memory_space<vmem>>) target_semaphore(%run_scoped3A : memref<!tpu.dma_semaphore, #tpu.memory_space<semaphore_mem>>)
      %dma_wait3A = arith.constant 0 : i32
      %dma_wait3A_36 = tpu.memref_slice %arg15[%add3A_19, %dma_wait3A] : memref<10112x128xf32, #tpu.memory_space<vmem_shared>> -> memref<128x128xf32, #tpu.memory_space<vmem_shared>>
      %dma_wait3A_37 = arith.constant 0 : i32
      %dma_wait3A_38 = tpu.memref_slice %arg15[%add3A_19, %dma_wait3A_37] : memref<10112x128xf32, #tpu.memory_space<vmem_shared>> -> memref<128x128xf32, #tpu.memory_space<vmem_shared>>
      tpu.wait_dma2 semaphore(%run_scoped3A : memref<!tpu.dma_semaphore, #tpu.memory_space<semaphore_mem>>) src(%dma_wait3A_38 : memref<128x128xf32, #tpu.memory_space<vmem_shared>>) dst(%arg13 : memref<128x128xf32, #tpu.memory_space<vmem>>)
      tpu.yield
    }) : () -> ()
    "tpu.region"() ({
      %run_scoped3A = tpu.sem_alloc : memref<!tpu.dma_semaphore, #tpu.memory_space<semaphore_mem>>
      %dma_start3A = arith.constant 0 : i32
      %dma_start3A_33 = tpu.memref_slice %arg6[%arg0, %add3A_19, %dma_start3A] : memref<2x10112x128xf32, #tpu.memory_space<hbm>> -> memref<1x128x128xf32, #tpu.memory_space<hbm>>
      %dma_start3A_34 = tpu.memref_squeeze %dma_start3A_33 : memref<1x128x128xf32, #tpu.memory_space<hbm>> -> memref<128x128xf32, #tpu.memory_space<hbm>>
      %dma_start3A_35 = arith.constant 0 : i32
      %dma_start3A_36 = tpu.memref_slice %arg6[%arg0, %add3A_19, %dma_start3A_35] : memref<2x10112x128xf32, #tpu.memory_space<hbm>> -> memref<1x128x128xf32, #tpu.memory_space<hbm>>
      %dma_start3A_37 = tpu.memref_squeeze %dma_start3A_36 : memref<1x128x128xf32, #tpu.memory_space<hbm>> -> memref<128x128xf32, #tpu.memory_space<hbm>>
      tpu.enqueue_dma source(%arg13 : memref<128x128xf32, #tpu.memory_space<vmem>>) target(%dma_start3A_37 : memref<128x128xf32, #tpu.memory_space<hbm>>) target_semaphore(%run_scoped3A : memref<!tpu.dma_semaphore, #tpu.memory_space<semaphore_mem>>)
      %dma_wait3A = arith.constant 0 : i32
      %dma_wait3A_38 = tpu.memref_slice %arg6[%arg0, %add3A_19, %dma_wait3A] : memref<2x10112x128xf32, #tpu.memory_space<hbm>> -> memref<1x128x128xf32, #tpu.memory_space<hbm>>
      %dma_wait3A_39 = tpu.memref_squeeze %dma_wait3A_38 : memref<1x128x128xf32, #tpu.memory_space<hbm>> -> memref<128x128xf32, #tpu.memory_space<hbm>>
      %dma_wait3A_40 = arith.constant 0 : i32
      %dma_wait3A_41 = tpu.memref_slice %arg6[%arg0, %add3A_19, %dma_wait3A_40] : memref<2x10112x128xf32, #tpu.memory_space<hbm>> -> memref<1x128x128xf32, #tpu.memory_space<hbm>>
      %dma_wait3A_42 = tpu.memref_squeeze %dma_wait3A_41 : memref<1x128x128xf32, #tpu.memory_space<hbm>> -> memref<128x128xf32, #tpu.memory_space<hbm>>
      tpu.wait_dma2 semaphore(%run_scoped3A : memref<!tpu.dma_semaphore, #tpu.memory_space<semaphore_mem>>) src(%arg13 : memref<128x128xf32, #tpu.memory_space<vmem>>) dst(%dma_wait3A_42 : memref<128x128xf32, #tpu.memory_space<hbm>>)
      tpu.yield
    }) : () -> ()
    %add3A_20 = arith.constant 128 : i32
    %add3A_21 = arith.addi %mul3A_0, %add3A_20 : i32
    "tpu.region"() ({
      %run_scoped3A = tpu.sem_alloc : memref<!tpu.dma_semaphore, #tpu.memory_space<semaphore_mem>>
      %dma_start3A = arith.constant 0 : i32
      %dma_start3A_33 = tpu.memref_slice %arg15[%add3A_21, %dma_start3A] : memref<10112x128xf32, #tpu.memory_space<vmem_shared>> -> memref<128x128xf32, #tpu.memory_space<vmem_shared>>
      %dma_start3A_34 = arith.constant 0 : i32
      %dma_start3A_35 = tpu.memref_slice %arg15[%add3A_21, %dma_start3A_34] : memref<10112x128xf32, #tpu.memory_space<vmem_shared>> -> memref<128x128xf32, #tpu.memory_space<vmem_shared>>
      tpu.enqueue_dma source(%dma_start3A_35 : memref<128x128xf32, #tpu.memory_space<vmem_shared>>) target(%arg13 : memref<128x128xf32, #tpu.memory_space<vmem>>) target_semaphore(%run_scoped3A : memref<!tpu.dma_semaphore, #tpu.memory_space<semaphore_mem>>)
      %dma_wait3A = arith.constant 0 : i32
      %dma_wait3A_36 = tpu.memref_slice %arg15[%add3A_21, %dma_wait3A] : memref<10112x128xf32, #tpu.memory_space<vmem_shared>> -> memref<128x128xf32, #tpu.memory_space<vmem_shared>>
      %dma_wait3A_37 = arith.constant 0 : i32
      %dma_wait3A_38 = tpu.memref_slice %arg15[%add3A_21, %dma_wait3A_37] : memref<10112x128xf32, #tpu.memory_space<vmem_shared>> -> memref<128x128xf32, #tpu.memory_space<vmem_shared>>
      tpu.wait_dma2 semaphore(%run_scoped3A : memref<!tpu.dma_semaphore, #tpu.memory_space<semaphore_mem>>) src(%dma_wait3A_38 : memref<128x128xf32, #tpu.memory_space<vmem_shared>>) dst(%arg13 : memref<128x128xf32, #tpu.memory_space<vmem>>)
      tpu.yield
    }) : () -> ()
    "tpu.region"() ({
      %run_scoped3A = tpu.sem_alloc : memref<!tpu.dma_semaphore, #tpu.memory_space<semaphore_mem>>
      %dma_start3A = arith.constant 0 : i32
      %dma_start3A_33 = tpu.memref_slice %arg6[%arg0, %add3A_21, %dma_start3A] : memref<2x10112x128xf32, #tpu.memory_space<hbm>> -> memref<1x128x128xf32, #tpu.memory_space<hbm>>
      %dma_start3A_34 = tpu.memref_squeeze %dma_start3A_33 : memref<1x128x128xf32, #tpu.memory_space<hbm>> -> memref<128x128xf32, #tpu.memory_space<hbm>>
      %dma_start3A_35 = arith.constant 0 : i32
      %dma_start3A_36 = tpu.memref_slice %arg6[%arg0, %add3A_21, %dma_start3A_35] : memref<2x10112x128xf32, #tpu.memory_space<hbm>> -> memref<1x128x128xf32, #tpu.memory_space<hbm>>
      %dma_start3A_37 = tpu.memref_squeeze %dma_start3A_36 : memref<1x128x128xf32, #tpu.memory_space<hbm>> -> memref<128x128xf32, #tpu.memory_space<hbm>>
      tpu.enqueue_dma source(%arg13 : memref<128x128xf32, #tpu.memory_space<vmem>>) target(%dma_start3A_37 : memref<128x128xf32, #tpu.memory_space<hbm>>) target_semaphore(%run_scoped3A : memref<!tpu.dma_semaphore, #tpu.memory_space<semaphore_mem>>)
      %dma_wait3A = arith.constant 0 : i32
      %dma_wait3A_38 = tpu.memref_slice %arg6[%arg0, %add3A_21, %dma_wait3A] : memref<2x10112x128xf32, #tpu.memory_space<hbm>> -> memref<1x128x128xf32, #tpu.memory_space<hbm>>
      %dma_wait3A_39 = tpu.memref_squeeze %dma_wait3A_38 : memref<1x128x128xf32, #tpu.memory_space<hbm>> -> memref<128x128xf32, #tpu.memory_space<hbm>>
      %dma_wait3A_40 = arith.constant 0 : i32
      %dma_wait3A_41 = tpu.memref_slice %arg6[%arg0, %add3A_21, %dma_wait3A_40] : memref<2x10112x128xf32, #tpu.memory_space<hbm>> -> memref<1x128x128xf32, #tpu.memory_space<hbm>>
      %dma_wait3A_42 = tpu.memref_squeeze %dma_wait3A_41 : memref<1x128x128xf32, #tpu.memory_space<hbm>> -> memref<128x128xf32, #tpu.memory_space<hbm>>
      tpu.wait_dma2 semaphore(%run_scoped3A : memref<!tpu.dma_semaphore, #tpu.memory_space<semaphore_mem>>) src(%arg13 : memref<128x128xf32, #tpu.memory_space<vmem>>) dst(%dma_wait3A_42 : memref<128x128xf32, #tpu.memory_space<hbm>>)
      tpu.yield
    }) : () -> ()
    %add3A_22 = arith.constant 256 : i32
    %add3A_23 = arith.addi %mul3A_0, %add3A_22 : i32
    "tpu.region"() ({
      %run_scoped3A = tpu.sem_alloc : memref<!tpu.dma_semaphore, #tpu.memory_space<semaphore_mem>>
      %dma_start3A = arith.constant 0 : i32
      %dma_start3A_33 = tpu.memref_slice %arg15[%add3A_23, %dma_start3A] : memref<10112x128xf32, #tpu.memory_space<vmem_shared>> -> memref<128x128xf32, #tpu.memory_space<vmem_shared>>
      %dma_start3A_34 = arith.constant 0 : i32
      %dma_start3A_35 = tpu.memref_slice %arg15[%add3A_23, %dma_start3A_34] : memref<10112x128xf32, #tpu.memory_space<vmem_shared>> -> memref<128x128xf32, #tpu.memory_space<vmem_shared>>
      tpu.enqueue_dma source(%dma_start3A_35 : memref<128x128xf32, #tpu.memory_space<vmem_shared>>) target(%arg13 : memref<128x128xf32, #tpu.memory_space<vmem>>) target_semaphore(%run_scoped3A : memref<!tpu.dma_semaphore, #tpu.memory_space<semaphore_mem>>)
      %dma_wait3A = arith.constant 0 : i32
      %dma_wait3A_36 = tpu.memref_slice %arg15[%add3A_23, %dma_wait3A] : memref<10112x128xf32, #tpu.memory_space<vmem_shared>> -> memref<128x128xf32, #tpu.memory_space<vmem_shared>>
      %dma_wait3A_37 = arith.constant 0 : i32
      %dma_wait3A_38 = tpu.memref_slice %arg15[%add3A_23, %dma_wait3A_37] : memref<10112x128xf32, #tpu.memory_space<vmem_shared>> -> memref<128x128xf32, #tpu.memory_space<vmem_shared>>
      tpu.wait_dma2 semaphore(%run_scoped3A : memref<!tpu.dma_semaphore, #tpu.memory_space<semaphore_mem>>) src(%dma_wait3A_38 : memref<128x128xf32, #tpu.memory_space<vmem_shared>>) dst(%arg13 : memref<128x128xf32, #tpu.memory_space<vmem>>)
      tpu.yield
    }) : () -> ()
    "tpu.region"() ({
      %run_scoped3A = tpu.sem_alloc : memref<!tpu.dma_semaphore, #tpu.memory_space<semaphore_mem>>
      %dma_start3A = arith.constant 0 : i32
      %dma_start3A_33 = tpu.memref_slice %arg6[%arg0, %add3A_23, %dma_start3A] : memref<2x10112x128xf32, #tpu.memory_space<hbm>> -> memref<1x128x128xf32, #tpu.memory_space<hbm>>
      %dma_start3A_34 = tpu.memref_squeeze %dma_start3A_33 : memref<1x128x128xf32, #tpu.memory_space<hbm>> -> memref<128x128xf32, #tpu.memory_space<hbm>>
      %dma_start3A_35 = arith.constant 0 : i32
      %dma_start3A_36 = tpu.memref_slice %arg6[%arg0, %add3A_23, %dma_start3A_35] : memref<2x10112x128xf32, #tpu.memory_space<hbm>> -> memref<1x128x128xf32, #tpu.memory_space<hbm>>
      %dma_start3A_37 = tpu.memref_squeeze %dma_start3A_36 : memref<1x128x128xf32, #tpu.memory_space<hbm>> -> memref<128x128xf32, #tpu.memory_space<hbm>>
      tpu.enqueue_dma source(%arg13 : memref<128x128xf32, #tpu.memory_space<vmem>>) target(%dma_start3A_37 : memref<128x128xf32, #tpu.memory_space<hbm>>) target_semaphore(%run_scoped3A : memref<!tpu.dma_semaphore, #tpu.memory_space<semaphore_mem>>)
      %dma_wait3A = arith.constant 0 : i32
      %dma_wait3A_38 = tpu.memref_slice %arg6[%arg0, %add3A_23, %dma_wait3A] : memref<2x10112x128xf32, #tpu.memory_space<hbm>> -> memref<1x128x128xf32, #tpu.memory_space<hbm>>
      %dma_wait3A_39 = tpu.memref_squeeze %dma_wait3A_38 : memref<1x128x128xf32, #tpu.memory_space<hbm>> -> memref<128x128xf32, #tpu.memory_space<hbm>>
      %dma_wait3A_40 = arith.constant 0 : i32
      %dma_wait3A_41 = tpu.memref_slice %arg6[%arg0, %add3A_23, %dma_wait3A_40] : memref<2x10112x128xf32, #tpu.memory_space<hbm>> -> memref<1x128x128xf32, #tpu.memory_space<hbm>>
      %dma_wait3A_42 = tpu.memref_squeeze %dma_wait3A_41 : memref<1x128x128xf32, #tpu.memory_space<hbm>> -> memref<128x128xf32, #tpu.memory_space<hbm>>
      tpu.wait_dma2 semaphore(%run_scoped3A : memref<!tpu.dma_semaphore, #tpu.memory_space<semaphore_mem>>) src(%arg13 : memref<128x128xf32, #tpu.memory_space<vmem>>) dst(%dma_wait3A_42 : memref<128x128xf32, #tpu.memory_space<hbm>>)
      tpu.yield
    }) : () -> ()
    %add3A_24 = arith.constant 384 : i32
    %add3A_25 = arith.addi %mul3A_0, %add3A_24 : i32
    "tpu.region"() ({
      %run_scoped3A = tpu.sem_alloc : memref<!tpu.dma_semaphore, #tpu.memory_space<semaphore_mem>>
      %dma_start3A = arith.constant 0 : i32
      %dma_start3A_33 = tpu.memref_slice %arg15[%add3A_25, %dma_start3A] : memref<10112x128xf32, #tpu.memory_space<vmem_shared>> -> memref<128x128xf32, #tpu.memory_space<vmem_shared>>
      %dma_start3A_34 = arith.constant 0 : i32
      %dma_start3A_35 = tpu.memref_slice %arg15[%add3A_25, %dma_start3A_34] : memref<10112x128xf32, #tpu.memory_space<vmem_shared>> -> memref<128x128xf32, #tpu.memory_space<vmem_shared>>
      tpu.enqueue_dma source(%dma_start3A_35 : memref<128x128xf32, #tpu.memory_space<vmem_shared>>) target(%arg13 : memref<128x128xf32, #tpu.memory_space<vmem>>) target_semaphore(%run_scoped3A : memref<!tpu.dma_semaphore, #tpu.memory_space<semaphore_mem>>)
      %dma_wait3A = arith.constant 0 : i32
      %dma_wait3A_36 = tpu.memref_slice %arg15[%add3A_25, %dma_wait3A] : memref<10112x128xf32, #tpu.memory_space<vmem_shared>> -> memref<128x128xf32, #tpu.memory_space<vmem_shared>>
      %dma_wait3A_37 = arith.constant 0 : i32
      %dma_wait3A_38 = tpu.memref_slice %arg15[%add3A_25, %dma_wait3A_37] : memref<10112x128xf32, #tpu.memory_space<vmem_shared>> -> memref<128x128xf32, #tpu.memory_space<vmem_shared>>
      tpu.wait_dma2 semaphore(%run_scoped3A : memref<!tpu.dma_semaphore, #tpu.memory_space<semaphore_mem>>) src(%dma_wait3A_38 : memref<128x128xf32, #tpu.memory_space<vmem_shared>>) dst(%arg13 : memref<128x128xf32, #tpu.memory_space<vmem>>)
      tpu.yield
    }) : () -> ()
    "tpu.region"() ({
      %run_scoped3A = tpu.sem_alloc : memref<!tpu.dma_semaphore, #tpu.memory_space<semaphore_mem>>
      %dma_start3A = arith.constant 0 : i32
      %dma_start3A_33 = tpu.memref_slice %arg6[%arg0, %add3A_25, %dma_start3A] : memref<2x10112x128xf32, #tpu.memory_space<hbm>> -> memref<1x128x128xf32, #tpu.memory_space<hbm>>
      %dma_start3A_34 = tpu.memref_squeeze %dma_start3A_33 : memref<1x128x128xf32, #tpu.memory_space<hbm>> -> memref<128x128xf32, #tpu.memory_space<hbm>>
      %dma_start3A_35 = arith.constant 0 : i32
      %dma_start3A_36 = tpu.memref_slice %arg6[%arg0, %add3A_25, %dma_start3A_35] : memref<2x10112x128xf32, #tpu.memory_space<hbm>> -> memref<1x128x128xf32, #tpu.memory_space<hbm>>
      %dma_start3A_37 = tpu.memref_squeeze %dma_start3A_36 : memref<1x128x128xf32, #tpu.memory_space<hbm>> -> memref<128x128xf32, #tpu.memory_space<hbm>>
      tpu.enqueue_dma source(%arg13 : memref<128x128xf32, #tpu.memory_space<vmem>>) target(%dma_start3A_37 : memref<128x128xf32, #tpu.memory_space<hbm>>) target_semaphore(%run_scoped3A : memref<!tpu.dma_semaphore, #tpu.memory_space<semaphore_mem>>)
      %dma_wait3A = arith.constant 0 : i32
      %dma_wait3A_38 = tpu.memref_slice %arg6[%arg0, %add3A_25, %dma_wait3A] : memref<2x10112x128xf32, #tpu.memory_space<hbm>> -> memref<1x128x128xf32, #tpu.memory_space<hbm>>
      %dma_wait3A_39 = tpu.memref_squeeze %dma_wait3A_38 : memref<1x128x128xf32, #tpu.memory_space<hbm>> -> memref<128x128xf32, #tpu.memory_space<hbm>>
      %dma_wait3A_40 = arith.constant 0 : i32
      %dma_wait3A_41 = tpu.memref_slice %arg6[%arg0, %add3A_25, %dma_wait3A_40] : memref<2x10112x128xf32, #tpu.memory_space<hbm>> -> memref<1x128x128xf32, #tpu.memory_space<hbm>>
      %dma_wait3A_42 = tpu.memref_squeeze %dma_wait3A_41 : memref<1x128x128xf32, #tpu.memory_space<hbm>> -> memref<128x128xf32, #tpu.memory_space<hbm>>
      tpu.wait_dma2 semaphore(%run_scoped3A : memref<!tpu.dma_semaphore, #tpu.memory_space<semaphore_mem>>) src(%arg13 : memref<128x128xf32, #tpu.memory_space<vmem>>) dst(%dma_wait3A_42 : memref<128x128xf32, #tpu.memory_space<hbm>>)
      tpu.yield
    }) : () -> ()
    %add3A_26 = arith.constant 512 : i32
    %add3A_27 = arith.addi %mul3A_0, %add3A_26 : i32
    "tpu.region"() ({
      %run_scoped3A = tpu.sem_alloc : memref<!tpu.dma_semaphore, #tpu.memory_space<semaphore_mem>>
      %dma_start3A = arith.constant 0 : i32
      %dma_start3A_33 = arith.constant 0 : i32
      %dma_start3A_34 = tpu.memref_slice %arg13[%dma_start3A, %dma_start3A_33] : memref<128x128xf32, #tpu.memory_space<vmem>> -> memref<120x128xf32, #tpu.memory_space<vmem>>
      %dma_start3A_35 = arith.constant 0 : i32
      %dma_start3A_36 = tpu.memref_slice %arg15[%add3A_27, %dma_start3A_35] : memref<10112x128xf32, #tpu.memory_space<vmem_shared>> -> memref<120x128xf32, #tpu.memory_space<vmem_shared>>
      %dma_start3A_37 = arith.constant 0 : i32
      %dma_start3A_38 = arith.constant 0 : i32
      %dma_start3A_39 = tpu.memref_slice %arg13[%dma_start3A_37, %dma_start3A_38] : memref<128x128xf32, #tpu.memory_space<vmem>> -> memref<120x128xf32, #tpu.memory_space<vmem>>
      %dma_start3A_40 = arith.constant 0 : i32
      %dma_start3A_41 = tpu.memref_slice %arg15[%add3A_27, %dma_start3A_40] : memref<10112x128xf32, #tpu.memory_space<vmem_shared>> -> memref<120x128xf32, #tpu.memory_space<vmem_shared>>
      tpu.enqueue_dma source(%dma_start3A_41 : memref<120x128xf32, #tpu.memory_space<vmem_shared>>) target(%dma_start3A_39 : memref<120x128xf32, #tpu.memory_space<vmem>>) target_semaphore(%run_scoped3A : memref<!tpu.dma_semaphore, #tpu.memory_space<semaphore_mem>>)
      %dma_wait3A = arith.constant 0 : i32
      %dma_wait3A_42 = arith.constant 0 : i32
      %dma_wait3A_43 = tpu.memref_slice %arg13[%dma_wait3A, %dma_wait3A_42] : memref<128x128xf32, #tpu.memory_space<vmem>> -> memref<120x128xf32, #tpu.memory_space<vmem>>
      %dma_wait3A_44 = arith.constant 0 : i32
      %dma_wait3A_45 = tpu.memref_slice %arg15[%add3A_27, %dma_wait3A_44] : memref<10112x128xf32, #tpu.memory_space<vmem_shared>> -> memref<120x128xf32, #tpu.memory_space<vmem_shared>>
      %dma_wait3A_46 = arith.constant 0 : i32
      %dma_wait3A_47 = arith.constant 0 : i32
      %dma_wait3A_48 = tpu.memref_slice %arg13[%dma_wait3A_46, %dma_wait3A_47] : memref<128x128xf32, #tpu.memory_space<vmem>> -> memref<120x128xf32, #tpu.memory_space<vmem>>
      %dma_wait3A_49 = arith.constant 0 : i32
      %dma_wait3A_50 = tpu.memref_slice %arg15[%add3A_27, %dma_wait3A_49] : memref<10112x128xf32, #tpu.memory_space<vmem_shared>> -> memref<120x128xf32, #tpu.memory_space<vmem_shared>>
      tpu.wait_dma2 semaphore(%run_scoped3A : memref<!tpu.dma_semaphore, #tpu.memory_space<semaphore_mem>>) src(%dma_wait3A_50 : memref<120x128xf32, #tpu.memory_space<vmem_shared>>) dst(%dma_wait3A_48 : memref<120x128xf32, #tpu.memory_space<vmem>>)
      tpu.yield
    }) : () -> ()
    "tpu.region"() ({
      %run_scoped3A = tpu.sem_alloc : memref<!tpu.dma_semaphore, #tpu.memory_space<semaphore_mem>>
      %dma_start3A = arith.constant 0 : i32
      %dma_start3A_33 = arith.constant 0 : i32
      %dma_start3A_34 = tpu.memref_slice %arg13[%dma_start3A, %dma_start3A_33] : memref<128x128xf32, #tpu.memory_space<vmem>> -> memref<120x128xf32, #tpu.memory_space<vmem>>
      %dma_start3A_35 = arith.constant 0 : i32
      %dma_start3A_36 = tpu.memref_slice %arg6[%arg0, %add3A_27, %dma_start3A_35] : memref<2x10112x128xf32, #tpu.memory_space<hbm>> -> memref<1x120x128xf32, #tpu.memory_space<hbm>>
      %dma_start3A_37 = tpu.memref_squeeze %dma_start3A_36 : memref<1x120x128xf32, #tpu.memory_space<hbm>> -> memref<120x128xf32, #tpu.memory_space<hbm>>
      %dma_start3A_38 = arith.constant 0 : i32
      %dma_start3A_39 = tpu.memref_slice %arg6[%arg0, %add3A_27, %dma_start3A_38] : memref<2x10112x128xf32, #tpu.memory_space<hbm>> -> memref<1x120x128xf32, #tpu.memory_space<hbm>>
      %dma_start3A_40 = tpu.memref_squeeze %dma_start3A_39 : memref<1x120x128xf32, #tpu.memory_space<hbm>> -> memref<120x128xf32, #tpu.memory_space<hbm>>
      %dma_start3A_41 = arith.constant 0 : i32
      %dma_start3A_42 = arith.constant 0 : i32
      %dma_start3A_43 = tpu.memref_slice %arg13[%dma_start3A_41, %dma_start3A_42] : memref<128x128xf32, #tpu.memory_space<vmem>> -> memref<120x128xf32, #tpu.memory_space<vmem>>
      tpu.enqueue_dma source(%dma_start3A_43 : memref<120x128xf32, #tpu.memory_space<vmem>>) target(%dma_start3A_40 : memref<120x128xf32, #tpu.memory_space<hbm>>) target_semaphore(%run_scoped3A : memref<!tpu.dma_semaphore, #tpu.memory_space<semaphore_mem>>)
      %dma_wait3A = arith.constant 0 : i32
      %dma_wait3A_44 = arith.constant 0 : i32
      %dma_wait3A_45 = tpu.memref_slice %arg13[%dma_wait3A, %dma_wait3A_44] : memref<128x128xf32, #tpu.memory_space<vmem>> -> memref<120x128xf32, #tpu.memory_space<vmem>>
      %dma_wait3A_46 = arith.constant 0 : i32
      %dma_wait3A_47 = tpu.memref_slice %arg6[%arg0, %add3A_27, %dma_wait3A_46] : memref<2x10112x128xf32, #tpu.memory_space<hbm>> -> memref<1x120x128xf32, #tpu.memory_space<hbm>>
      %dma_wait3A_48 = tpu.memref_squeeze %dma_wait3A_47 : memref<1x120x128xf32, #tpu.memory_space<hbm>> -> memref<120x128xf32, #tpu.memory_space<hbm>>
      %dma_wait3A_49 = arith.constant 0 : i32
      %dma_wait3A_50 = tpu.memref_slice %arg6[%arg0, %add3A_27, %dma_wait3A_49] : memref<2x10112x128xf32, #tpu.memory_space<hbm>> -> memref<1x120x128xf32, #tpu.memory_space<hbm>>
      %dma_wait3A_51 = tpu.memref_squeeze %dma_wait3A_50 : memref<1x120x128xf32, #tpu.memory_space<hbm>> -> memref<120x128xf32, #tpu.memory_space<hbm>>
      %dma_wait3A_52 = arith.constant 0 : i32
      %dma_wait3A_53 = arith.constant 0 : i32
      %dma_wait3A_54 = tpu.memref_slice %arg13[%dma_wait3A_52, %dma_wait3A_53] : memref<128x128xf32, #tpu.memory_space<vmem>> -> memref<120x128xf32, #tpu.memory_space<vmem>>
      tpu.wait_dma2 semaphore(%run_scoped3A : memref<!tpu.dma_semaphore, #tpu.memory_space<semaphore_mem>>) src(%dma_wait3A_54 : memref<120x128xf32, #tpu.memory_space<vmem>>) dst(%dma_wait3A_51 : memref<120x128xf32, #tpu.memory_space<hbm>>)
      tpu.yield
    }) : () -> ()
    %eq3A_28 = arith.constant 0 : i32
    %eq3A_29 = arith.cmpi eq, %arg1, %eq3A_28 : i32
    %convert_element_type3A_30 = arith.extui %eq3A_29 : i1 to i32
    %cond3A_31 = arith.constant 0 : i32
    %cond3A_32 = arith.cmpi ne, %convert_element_type3A_30, %cond3A_31 : i32
    scf.if %cond3A_32 {
      "tpu.region"() ({
        %run_scoped3A = tpu.sem_alloc : memref<!tpu.dma_semaphore, #tpu.memory_space<semaphore_mem>>
        %dma_start3A = arith.constant 0 : i32
        %dma_start3A_33 = arith.constant 0 : i32
        %dma_start3A_34 = tpu.memref_slice %arg14[%dma_start3A, %dma_start3A_33] : memref<128x128xf32, #tpu.memory_space<vmem>> -> memref<80x128xf32, #tpu.memory_space<vmem>>
        %dma_start3A_35 = arith.constant 0 : i32
        %dma_start3A_36 = arith.constant 0 : i32
        %dma_start3A_37 = tpu.memref_slice %arg14[%dma_start3A_35, %dma_start3A_36] : memref<128x128xf32, #tpu.memory_space<vmem>> -> memref<80x128xf32, #tpu.memory_space<vmem>>
        tpu.enqueue_dma source(%arg16 : memref<80x128xf32, #tpu.memory_space<vmem_shared>>) target(%dma_start3A_37 : memref<80x128xf32, #tpu.memory_space<vmem>>) target_semaphore(%run_scoped3A : memref<!tpu.dma_semaphore, #tpu.memory_space<semaphore_mem>>)
        %dma_wait3A = arith.constant 0 : i32
        %dma_wait3A_38 = arith.constant 0 : i32
        %dma_wait3A_39 = tpu.memref_slice %arg14[%dma_wait3A, %dma_wait3A_38] : memref<128x128xf32, #tpu.memory_space<vmem>> -> memref<80x128xf32, #tpu.memory_space<vmem>>
        %dma_wait3A_40 = arith.constant 0 : i32
        %dma_wait3A_41 = arith.constant 0 : i32
        %dma_wait3A_42 = tpu.memref_slice %arg14[%dma_wait3A_40, %dma_wait3A_41] : memref<128x128xf32, #tpu.memory_space<vmem>> -> memref<80x128xf32, #tpu.memory_space<vmem>>
        tpu.wait_dma2 semaphore(%run_scoped3A : memref<!tpu.dma_semaphore, #tpu.memory_space<semaphore_mem>>) src(%arg16 : memref<80x128xf32, #tpu.memory_space<vmem_shared>>) dst(%dma_wait3A_42 : memref<80x128xf32, #tpu.memory_space<vmem>>)
        tpu.yield
      }) : () -> ()
      "tpu.region"() ({
        %run_scoped3A = tpu.sem_alloc : memref<!tpu.dma_semaphore, #tpu.memory_space<semaphore_mem>>
        %dma_start3A = arith.constant 0 : i32
        %dma_start3A_33 = arith.constant 0 : i32
        %dma_start3A_34 = tpu.memref_slice %arg14[%dma_start3A, %dma_start3A_33] : memref<128x128xf32, #tpu.memory_space<vmem>> -> memref<80x128xf32, #tpu.memory_space<vmem>>
        %dma_start3A_35 = arith.constant 0 : i32
        %dma_start3A_36 = arith.constant 0 : i32
        %dma_start3A_37 = tpu.memref_slice %arg7[%arg0, %dma_start3A_35, %dma_start3A_36] : memref<2x80x128xf32, #tpu.memory_space<hbm>> -> memref<1x80x128xf32, #tpu.memory_space<hbm>>
        %dma_start3A_38 = tpu.memref_squeeze %dma_start3A_37 : memref<1x80x128xf32, #tpu.memory_space<hbm>> -> memref<80x128xf32, #tpu.memory_space<hbm>>
        %dma_start3A_39 = arith.constant 0 : i32
        %dma_start3A_40 = arith.constant 0 : i32
        %dma_start3A_41 = tpu.memref_slice %arg7[%arg0, %dma_start3A_39, %dma_start3A_40] : memref<2x80x128xf32, #tpu.memory_space<hbm>> -> memref<1x80x128xf32, #tpu.memory_space<hbm>>
        %dma_start3A_42 = tpu.memref_squeeze %dma_start3A_41 : memref<1x80x128xf32, #tpu.memory_space<hbm>> -> memref<80x128xf32, #tpu.memory_space<hbm>>
        %dma_start3A_43 = arith.constant 0 : i32
        %dma_start3A_44 = arith.constant 0 : i32
        %dma_start3A_45 = tpu.memref_slice %arg14[%dma_start3A_43, %dma_start3A_44] : memref<128x128xf32, #tpu.memory_space<vmem>> -> memref<80x128xf32, #tpu.memory_space<vmem>>
        tpu.enqueue_dma source(%dma_start3A_45 : memref<80x128xf32, #tpu.memory_space<vmem>>) target(%dma_start3A_42 : memref<80x128xf32, #tpu.memory_space<hbm>>) target_semaphore(%run_scoped3A : memref<!tpu.dma_semaphore, #tpu.memory_space<semaphore_mem>>)
        %dma_wait3A = arith.constant 0 : i32
        %dma_wait3A_46 = arith.constant 0 : i32
        %dma_wait3A_47 = tpu.memref_slice %arg14[%dma_wait3A, %dma_wait3A_46] : memref<128x128xf32, #tpu.memory_space<vmem>> -> memref<80x128xf32, #tpu.memory_space<vmem>>
        %dma_wait3A_48 = arith.constant 0 : i32
        %dma_wait3A_49 = arith.constant 0 : i32
        %dma_wait3A_50 = tpu.memref_slice %arg7[%arg0, %dma_wait3A_48, %dma_wait3A_49] : memref<2x80x128xf32, #tpu.memory_space<hbm>> -> memref<1x80x128xf32, #tpu.memory_space<hbm>>
        %dma_wait3A_51 = tpu.memref_squeeze %dma_wait3A_50 : memref<1x80x128xf32, #tpu.memory_space<hbm>> -> memref<80x128xf32, #tpu.memory_space<hbm>>
        %dma_wait3A_52 = arith.constant 0 : i32
        %dma_wait3A_53 = arith.constant 0 : i32
        %dma_wait3A_54 = tpu.memref_slice %arg7[%arg0, %dma_wait3A_52, %dma_wait3A_53] : memref<2x80x128xf32, #tpu.memory_space<hbm>> -> memref<1x80x128xf32, #tpu.memory_space<hbm>>
        %dma_wait3A_55 = tpu.memref_squeeze %dma_wait3A_54 : memref<1x80x128xf32, #tpu.memory_space<hbm>> -> memref<80x128xf32, #tpu.memory_space<hbm>>
        %dma_wait3A_56 = arith.constant 0 : i32
        %dma_wait3A_57 = arith.constant 0 : i32
        %dma_wait3A_58 = tpu.memref_slice %arg14[%dma_wait3A_56, %dma_wait3A_57] : memref<128x128xf32, #tpu.memory_space<vmem>> -> memref<80x128xf32, #tpu.memory_space<vmem>>
        tpu.wait_dma2 semaphore(%run_scoped3A : memref<!tpu.dma_semaphore, #tpu.memory_space<semaphore_mem>>) src(%dma_wait3A_58 : memref<80x128xf32, #tpu.memory_space<vmem>>) dst(%dma_wait3A_55 : memref<80x128xf32, #tpu.memory_space<hbm>>)
        tpu.yield
      }) : () -> ()
    } else {
    }
    return
  }
}

module attributes {stable_mosaic.version = 14 : i64} {
  func.func @_tc_finish_body(%arg0: i32, %arg1: memref<1x1000x128xf32, #tpu.memory_space<vmem>>, %arg2: memref<1x1000x128xf32, #tpu.memory_space<vmem>>, %arg3: memref<1000x1xf32, #tpu.memory_space<vmem>>, %arg4: memref<1000x1xf32, #tpu.memory_space<vmem>>, %arg5: memref<1000x128xf32, #tpu.memory_space<vmem>>, %arg6: memref<128x128xf32, #tpu.memory_space<vmem>>, %arg7: memref<128x128xf32, #tpu.memory_space<vmem>>, %arg8: memref<128x128xf32, #tpu.memory_space<vmem>>, %arg9: memref<1x128xf32, #tpu.memory_space<vmem>>, %arg10: memref<1000x128xf32, #tpu.memory_space<vmem>>) attributes {dimension_semantics = [#tpu.dimension_semantics<arbitrary>], iteration_bounds = array<i64: 10>, scalar_prefetch = 0 : i64, scratch_operands = 0 : i64, tpu.core_type = #tpu.core_type<tc>, window_params = [{transform_indices = @transform_0, window_bounds = array<i64: 1, 1000, 128>}, {transform_indices = @transform_1, window_bounds = array<i64: 1, 1000, 128>}, {transform_indices = @transform_2, window_bounds = array<i64: 1000, 1>}, {transform_indices = @transform_3, window_bounds = array<i64: 1000, 1>}, {transform_indices = @transform_4, window_bounds = array<i64: 1000, 128>}, {pipeline_mode = #tpu.pipeline_mode<synchronous>, transform_indices = @transform_5, window_bounds = array<i64: 128, 128>}, {pipeline_mode = #tpu.pipeline_mode<synchronous>, transform_indices = @transform_6, window_bounds = array<i64: 128, 128>}, {pipeline_mode = #tpu.pipeline_mode<synchronous>, transform_indices = @transform_7, window_bounds = array<i64: 128, 128>}, {pipeline_mode = #tpu.pipeline_mode<synchronous>, transform_indices = @transform_8, window_bounds = array<i64: 1, 128>}, {transform_indices = @transform_9, window_bounds = array<i64: 1000, 128>}]} {
    %get3A = arith.constant 0 : index
    %get3A_0 = arith.constant 0 : index
    %get3A_1 = vector.load %arg3[%get3A, %get3A_0] : memref<1000x1xf32, #tpu.memory_space<vmem>>, vector<1000x1xf32>
    %max3A = arith.constant 1.000000e+00 : f32
    %max3A_2 = vector.broadcast %max3A : f32 to vector<1000x1xf32>
    %max3A_3 = arith.maximumf %get3A_1, %max3A_2 : vector<1000x1xf32>
    %div3A = arith.constant 1.000000e+00 : f32
    %div3A_4 = vector.broadcast %div3A : f32 to vector<1000x1xf32>
    %div3A_5 = arith.divf %div3A_4, %max3A_3 : vector<1000x1xf32>
    %get3A_6 = arith.constant 0 : index
    %get3A_7 = arith.constant 0 : index
    %get3A_8 = vector.load %arg4[%get3A_6, %get3A_7] : memref<1000x1xf32, #tpu.memory_space<vmem>>, vector<1000x1xf32>
    %max3A_9 = arith.constant 1.000000e+00 : f32
    %max3A_10 = vector.broadcast %max3A_9 : f32 to vector<1000x1xf32>
    %max3A_11 = arith.maximumf %get3A_8, %max3A_10 : vector<1000x1xf32>
    %div3A_12 = arith.constant 1.000000e+00 : f32
    %div3A_13 = vector.broadcast %div3A_12 : f32 to vector<1000x1xf32>
    %div3A_14 = arith.divf %div3A_13, %max3A_11 : vector<1000x1xf32>
    %get3A_15 = arith.constant 0 : index
    %get3A_16 = arith.constant 0 : index
    %get3A_17 = arith.constant 0 : index
    %get3A_18 = vector.load %arg1[%get3A_15, %get3A_16, %get3A_17] : memref<1x1000x128xf32, #tpu.memory_space<vmem>>, vector<1x1000x128xf32>
    %get3A_19 = vector.shape_cast %get3A_18 : vector<1x1000x128xf32> to vector<1000x128xf32>
    %mul3A = vector.broadcast %div3A_5 : vector<1000x1xf32> to vector<1000x128xf32>
    %mul3A_20 = arith.mulf %get3A_19, %mul3A : vector<1000x128xf32>
    %get3A_21 = arith.constant 0 : index
    %get3A_22 = arith.constant 0 : index
    %get3A_23 = arith.constant 0 : index
    %get3A_24 = vector.load %arg2[%get3A_21, %get3A_22, %get3A_23] : memref<1x1000x128xf32, #tpu.memory_space<vmem>>, vector<1x1000x128xf32>
    %get3A_25 = vector.shape_cast %get3A_24 : vector<1x1000x128xf32> to vector<1000x128xf32>
    %mul3A_26 = vector.broadcast %div3A_14 : vector<1000x1xf32> to vector<1000x128xf32>
    %mul3A_27 = arith.mulf %get3A_25, %mul3A_26 : vector<1000x128xf32>
    %get3A_28 = arith.constant 0 : index
    %get3A_29 = arith.constant 0 : index
    %get3A_30 = vector.load %arg6[%get3A_28, %get3A_29] : memref<128x128xf32, #tpu.memory_space<vmem>>, vector<128x128xf32>
    %dot_general3A = arith.constant dense<0.000000e+00> : vector<1000x128xf32>
    %dot_general3A_31 = tpu.matmul %mul3A_20, %get3A_30, %dot_general3A {dimension_numbers = #tpu.dot_dimension_numbers<[1], [0], [0], [1], [0, 0, 1, 1], [], []>, transpose_lhs_hint = false} : vector<1000x128xf32>, vector<128x128xf32>, vector<1000x128xf32> -> vector<1000x128xf32>
    %get3A_32 = arith.constant 0 : index
    %get3A_33 = arith.constant 0 : index
    %get3A_34 = vector.load %arg7[%get3A_32, %get3A_33] : memref<128x128xf32, #tpu.memory_space<vmem>>, vector<128x128xf32>
    %dot_general3A_35 = arith.constant dense<0.000000e+00> : vector<1000x128xf32>
    %dot_general3A_36 = tpu.matmul %mul3A_27, %get3A_34, %dot_general3A_35 {dimension_numbers = #tpu.dot_dimension_numbers<[1], [0], [0], [1], [0, 0, 1, 1], [], []>, transpose_lhs_hint = false} : vector<1000x128xf32>, vector<128x128xf32>, vector<1000x128xf32> -> vector<1000x128xf32>
    %add3A = arith.addf %dot_general3A_31, %dot_general3A_36 : vector<1000x128xf32>
    %get3A_37 = arith.constant 0 : index
    %get3A_38 = arith.constant 0 : index
    %get3A_39 = vector.load %arg5[%get3A_37, %get3A_38] : memref<1000x128xf32, #tpu.memory_space<vmem>>, vector<1000x128xf32>
    %get3A_40 = arith.constant 0 : index
    %get3A_41 = arith.constant 0 : index
    %get3A_42 = vector.load %arg8[%get3A_40, %get3A_41] : memref<128x128xf32, #tpu.memory_space<vmem>>, vector<128x128xf32>
    %dot_general3A_43 = arith.constant dense<0.000000e+00> : vector<1000x128xf32>
    %dot_general3A_44 = tpu.matmul %get3A_39, %get3A_42, %dot_general3A_43 {dimension_numbers = #tpu.dot_dimension_numbers<[1], [0], [0], [1], [0, 0, 1, 1], [], []>, transpose_lhs_hint = false} : vector<1000x128xf32>, vector<128x128xf32>, vector<1000x128xf32> -> vector<1000x128xf32>
    %add3A_45 = arith.addf %add3A, %dot_general3A_44 : vector<1000x128xf32>
    %get3A_46 = arith.constant 0 : index
    %get3A_47 = arith.constant 0 : index
    %get3A_48 = vector.load %arg9[%get3A_46, %get3A_47] : memref<1x128xf32, #tpu.memory_space<vmem>>, vector<1x128xf32>
    %add3A_49 = vector.broadcast %get3A_48 : vector<1x128xf32> to vector<1000x128xf32>
    %add3A_50 = arith.addf %add3A_45, %add3A_49 : vector<1000x128xf32>
    %max3A_51 = arith.constant 0.000000e+00 : f32
    %max3A_52 = vector.broadcast %max3A_51 : f32 to vector<1000x128xf32>
    %max3A_53 = arith.maximumf %add3A_50, %max3A_52 : vector<1000x128xf32>
    %swap3A = arith.constant 0 : index
    %swap3A_54 = arith.constant 0 : index
    %swap3A_55 = vector.load %arg10[%swap3A, %swap3A_54] : memref<1000x128xf32, #tpu.memory_space<vmem>>, vector<1000x128xf32>
    tpu.vector_store %arg10[%swap3A, %swap3A_54], %max3A_53 {strides = array<i32>} : memref<1000x128xf32, #tpu.memory_space<vmem>>, vector<1000x128xf32>,
    return
  }
  func.func @transform_0(%arg0: i32) -> (i32, i32, i32) {
    %c0_i32 = arith.constant 0 : i32
    %c0_i32_0 = arith.constant 0 : i32
    %c0_i32_1 = arith.constant 0 : i32
    return %c0_i32, %arg0, %c0_i32_0 : i32, i32, i32
  }
  func.func @transform_1(%arg0: i32) -> (i32, i32, i32) {
    %c1_i32 = arith.constant 1 : i32
    %c0_i32 = arith.constant 0 : i32
    %c0_i32_0 = arith.constant 0 : i32
    return %c1_i32, %arg0, %c0_i32 : i32, i32, i32
  }
  func.func @transform_2(%arg0: i32) -> (i32, i32) {
    %c0_i32 = arith.constant 0 : i32
    %c0_i32_0 = arith.constant 0 : i32
    return %arg0, %c0_i32 : i32, i32
  }
  func.func @transform_3(%arg0: i32) -> (i32, i32) {
    %c0_i32 = arith.constant 0 : i32
    %c0_i32_0 = arith.constant 0 : i32
    return %arg0, %c0_i32 : i32, i32
  }
  func.func @transform_4(%arg0: i32) -> (i32, i32) {
    %c0_i32 = arith.constant 0 : i32
    %c0_i32_0 = arith.constant 0 : i32
    return %arg0, %c0_i32 : i32, i32
  }
  func.func @transform_5(%arg0: i32) -> (i32, i32) {
    %c0_i32 = arith.constant 0 : i32
    %c0_i32_0 = arith.constant 0 : i32
    %c0_i32_1 = arith.constant 0 : i32
    return %c0_i32, %c0_i32_0 : i32, i32
  }
  func.func @transform_6(%arg0: i32) -> (i32, i32) {
    %c0_i32 = arith.constant 0 : i32
    %c0_i32_0 = arith.constant 0 : i32
    %c0_i32_1 = arith.constant 0 : i32
    return %c0_i32, %c0_i32_0 : i32, i32
  }
  func.func @transform_7(%arg0: i32) -> (i32, i32) {
    %c0_i32 = arith.constant 0 : i32
    %c0_i32_0 = arith.constant 0 : i32
    %c0_i32_1 = arith.constant 0 : i32
    return %c0_i32, %c0_i32_0 : i32, i32
  }
  func.func @transform_8(%arg0: i32) -> (i32, i32) {
    %c0_i32 = arith.constant 0 : i32
    %c0_i32_0 = arith.constant 0 : i32
    %c0_i32_1 = arith.constant 0 : i32
    return %c0_i32, %c0_i32_0 : i32, i32
  }
  func.func @transform_9(%arg0: i32) -> (i32, i32) {
    %c0_i32 = arith.constant 0 : i32
    %c0_i32_0 = arith.constant 0 : i32
    return %arg0, %c0_i32 : i32, i32
  }
}

</mosaic_0001>

<sc_bundles>
// kernel: kernel.4.cloned.1.call-start
scs
__scs_entry_jumppad:
0x0: {  	(pc) =	sbr.rel $0x88, $3  }
0x1: {  	(tag) =	ssettag $0x0;
	lr =	simm.s32 $0x1  }
0x2: {  	[smem:$0x3F9A] =	sst lr;
	_ =	strace $0xD0000000  }
0x3: {  	_ = 	snop  }
0x4: {  	_ = 	snop  }
0x5: {  	_ = 	snop  }
0x6: {  	_ = 	snop  }
0x7: {  	_ = 	snop  }
__scs_overlays_trampoline_lowered:
0x8: {  	[smem:$0x3FA9] =	sst s0  }
0x9: {  	[smem:$0x3FAA] =	sst s1  }
0xa: {  	[smem:$0x3FAB] =	sst s2  }
0xb: {  	[smem:$0x3FAC] =	sst s3  }
0xc: {  	[smem:$0x3FAD] =	sst s4  }
0xd: {  	[smem:$0x3FAE] =	sst s5  }
0xe: {  	[smem:$0x3FAF] =	sst s6  }
0xf: {  	[smem:$0x3FB0] =	sst s7  }
0x10: {  	[smem:$0x3FB1] =	sst s8  }
0x11: {  	[smem:$0x3FB2] =	sst s9;
	s0 =	simm.s32 @!p0 $0x0  }
0x12: {  	s1 =	sld [smem:$0x3F98];
	s0 =	simm.s32 @p0 $0x1  }
0x13: {  	[smem:$0x3FB3] =	sst s0;
	s0 =	simm.s32 @!p1 $0x0  }
0x14: {  	s2 =	sld [smem:$0x3F97];
	s0 =	simm.s32 @p1 $0x1  }
0x15: {  	[smem:$0x3FB4] =	sst s0;
	s0 =	simm.s32 @!p2 $0x0  }
0x16: {  	s3 =	sld [smem:$0x3FDB];
	s0 =	simm.s32 @p2 $0x1  }
0x17: {  	s4 =	simm.s32 $0x1BF5;
	[smem:$0x3FB6] =	sst s0  }
0x18: {  	s0 =	sld [smem:$0x3F99];
	_ =	swait.ge [sflag:s4], $0x0  }
0x19: {  	s7 =	sld [smem:$0x3F9A]  }
0x1a: {  	s8 =	sadd.s32 $0xFFFFE003, lr  }
0x1b: {  	s9 =	sadd.s32 $0xFFFFFEF7, lr;
	s5 =	simm.s32 $0xFFFFFFFF;
	p2 =	slt.u32 s8, $0xFFFFF086  }
0x1c: {  	p1 =	slt.u32 s9, $0xF7A;
	s5 =	simm.s32 @!p2 $0x0  }
0x1d: {  	s5 =	simm.s32 @p1 $0x1;
	p0 =	seq.s32 s7, s2  }
0x1e: {  	s7 =	smul.u32 @!p0 $0xF7A, s2;
	p2 =	seq.s32 @!p0 s5, $0x0  }
0x1f: {  	s9 =	smul.u32 $0xF7A, s1;
	s8 =	simm.s32 @!p0 $0x1BF5;
	p2 =	por !p2, p0  }
0x20: {  	[sflag:s8] =	ssyncset.s32 @!p0 $0xFFFFF086;
	s6 =	sadd.s32 @!p0 s3, s7;
	s7 =	simm.s32 @!p0 $0x108  }
0x21: {  	s3 =	sadd.s32 s3, s9;
	s6 =	sadd.s32 @!p0 $0x88, s6;
	s7 =	simm.s32 @p2 $0x1082  }
0x22: {  	[simem:s7], [sflag:s8] =	dma.local @!p0 [hbm:s6], $0xF7A  }
0x23: {  	s9 =	sor.u32 $0xD0000000, s2;
	s6 =	simm.s32 $0x108;
	_ =	swait.ge @!p0 [sflag:s8], $0x0  }
0x24: {  	s3 =	sadd.s32 $0x88, s3;
	s6 =	simm.s32 @!p1 $0x1082;
	[sflag:s4] =	ssyncset.s32 $0xFFFFF086  }
0x25: {  	[simem:s6], [sflag:s4] =	dma.local [hbm:s3], $0xF7A  }
0x26: {  	[smem:$0x3F9A] =	sst s1;
	(tag) =	ssettag s2;
	_ =	strace s9  }
0x27: {  	s1 =	sld [smem:$0x3FAA]  }
0x28: {  	s2 =	sld [smem:$0x3FAB]  }
0x29: {  	s4 =	sld [smem:$0x3FAD]  }
0x2a: {  	p0 =	seq.s32 s5, $0x0;
	s5 =	sld [smem:$0x3FAE]  }
0x2b: {  	s6 =	sld [smem:$0x3FAF]  }
0x2c: {  	s7 =	sld [smem:$0x3FB0]  }
0x2d: {  	s3 =	simm.s32 $0x108;
	s8 =	sld [smem:$0x3FB1]  }
0x2e: {  	s3 =	simm.s32 @!p0 $0x1082;
	s9 =	sld [smem:$0x3FB2]  }
0x2f: {  	lr =	sadd.s32 s0, s3;
	s0 =	sld [smem:$0x3FA9]  }
0x30: {  	s3 =	sld [smem:$0x3FAC]  }
0x31: {  	[smem:$0x3FB5] =	sst s10  }
0x32: {  	s10 =	sld [smem:$0x3FB3];
	_ =	sdelay $0x3  }
0x33: {  	p0 =	seq.s32 s10, $0x1;
	s10 =	sld [smem:$0x3FB5];
	_ =	sdelay $0x3  }
0x34: {  	[smem:$0x3FB5] =	sst s10  }
0x35: {  	s10 =	sld [smem:$0x3FB4];
	_ =	sdelay $0x3  }
0x36: {  	p1 =	seq.s32 s10, $0x1;
	s10 =	sld [smem:$0x3FB5];
	_ =	sdelay $0x3  }
0x37: {  	[smem:$0x3FB5] =	sst s10  }
0x38: {  	s10 =	sld [smem:$0x3FB6]  }
0x39: {  	_ = 	snop;
	(pc) =	sbr.ind lr, $3  }
0x3a: {  	_ = 	snop  }
0x3b: {  	_ = 	snop  }
0x3c: {  	p2 =	seq.s32 s10, $0x1;
	s10 =	sld [smem:$0x3FB5]  }
0x3d: {  	_ =	shalt  }
0x3e: {  	_ =	shalt  }
0x3f: {  	_ =	shalt  }
0x40: {  	_ =	shalt  }
0x41: {  	_ =	shalt  }
0x42: {  	_ =	shalt  }
0x43: {  	_ =	shalt  }
0x44: {  	_ =	shalt  }
0x45: {  	_ =	shalt  }
0x46: {  	_ =	shalt  }
0x47: {  	_ =	shalt  }
0x48: {  	_ =	shalt  }
0x49: {  	_ =	shalt  }
0x4a: {  	_ =	shalt  }
0x4b: {  	_ =	shalt  }
0x4c: {  	_ =	shalt  }
0x4d: {  	_ =	shalt  }
0x4e: {  	_ =	shalt  }
0x4f: {  	_ =	shalt  }
0x50: {  	_ =	shalt  }
0x51: {  	_ =	shalt  }
0x52: {  	_ =	shalt  }
0x53: {  	_ =	shalt  }
0x54: {  	_ =	shalt  }
0x55: {  	_ =	shalt  }
0x56: {  	_ =	shalt  }
0x57: {  	_ =	shalt  }
0x58: {  	_ =	shalt  }
0x59: {  	_ =	shalt  }
0x5a: {  	_ =	shalt  }
0x5b: {  	_ =	shalt  }
0x5c: {  	_ =	shalt  }
0x5d: {  	_ =	shalt  }
0x5e: {  	_ =	shalt  }
0x5f: {  	_ =	shalt  }
0x60: {  	_ =	shalt  }
0x61: {  	_ =	shalt  }
0x62: {  	_ =	shalt  }
0x63: {  	_ =	shalt  }
0x64: {  	_ =	shalt  }
0x65: {  	_ =	shalt  }
0x66: {  	_ =	shalt  }
0x67: {  	_ =	shalt  }
0x68: {  	_ =	shalt  }
0x69: {  	_ =	shalt  }
0x6a: {  	_ =	shalt  }
0x6b: {  	_ =	shalt  }
0x6c: {  	_ =	shalt  }
0x6d: {  	_ =	shalt  }
0x6e: {  	_ =	shalt  }
0x6f: {  	_ =	shalt  }
0x70: {  	_ =	shalt  }
0x71: {  	_ =	shalt  }
0x72: {  	_ =	shalt  }
0x73: {  	_ =	shalt  }
0x74: {  	_ =	shalt  }
0x75: {  	_ =	shalt  }
0x76: {  	_ =	shalt  }
0x77: {  	_ =	shalt  }
0x78: {  	_ =	shalt  }
0x79: {  	_ =	shalt  }
0x7a: {  	_ =	shalt  }
0x7b: {  	_ =	shalt  }
0x7c: {  	_ =	shalt  }
0x7d: {  	_ =	shalt  }
0x7e: {  	_ =	shalt  }
0x7f: {  	_ =	shalt  }
0x80: {  	_ =	shalt  }
0x81: {  	_ =	shalt  }
0x82: {  	_ =	shalt  }
0x83: {  	_ =	shalt  }
0x84: {  	_ =	shalt  }
0x85: {  	_ =	shalt  }
0x86: {  	_ =	shalt  }
0x87: {  	_ =	shalt  }
.Lfunc_end0:
.L_simem_size_0:
called_computation_lowered:
.L_overlay_start_0:
0x88: {  	s2 =	sld [smem:$0x3FD9]  }
0x89: {  	s3 =	sld [smem:$0x3FFE];
	_ =	sdelay $0x1  }
0x8a: {  	s1 =	srdreg.scid  }
0x8b: {  	s0 =	sand.u32 $0x1, s1  }
0x8c: {  	s17 =	sshll.u32 s0, $0xA;
	s2 =	sadd.s32 s3, s2  }
0x8d: {  	s2 =	sadd.s32 s2, s17  }
0x8e: {  	[smem:$0x3FC1] =	sst s2  }
0x8f: {  	_ = 	snop  }
0x90: {  	s2 =	sld [smem:$0x3FC9]  }
0x91: {  	s18 =	sld [smem:$0x3FD0];
	(tm) =	ssettm $0x1  }
0x92: {  	s4 =	sld [smem:$0x3FFB];
	_ =	sdelay $0x3  }
0x93: {  	_ =	strace s4  }
0x94: {  	s4 =	sld [smem:$0x3FFC];
	_ =	sdelay $0x3  }
0x95: {  	_ =	strace s4  }
0x96: {  	s4 =	sld [smem:$0x3FFD];
	_ =	sdelay $0x3  }
0x97: {  	_ =	strace s4  }
0x98: {  	_ =	strace $0x8FFFFFFF  }
0x99: {  	s19 =	sld [smem:$0x3FDB];
	_ =	sdelay $0x1  }
0x9a: {  	s5 =	simm.s32 $_scs_section_size  }
0x9b: {  	s6 =	simm.s32 $_size__tile_overlayer_lowered;
	s7 =	simm.s32 $_tile_overlayer_lowered  }
0x9c: {  	s22 =	simm.s32 $0x1BFF;
	s21 =	sshll.u32 s7, $0x1;
	s4 =	sadd.s32 s5, s19  }
0x9d: {  	s8 =	simm.s32 $0x0;
	s20 =	sshll.u32 s6, $0x1;
	s6 =	sadd.s32 s21, s4  }
0x9e: {  	[timem:s8], [sflag:s22] =	dma.local [hbm:s6], s20  }
0x9f: {  	_ =	swait.ge [sflag:s22], s20  }
0xa0: {  	s5 =	ssub.s32 $0x0, s20;
	[sflag:s22] =	ssyncset.done $0x0  }
0xa1: {  	[sflag:s22] =	ssyncadd.s32 s5;
	_ =	sdelay $0x1  }
0xa2: {  	s23 =	simm.s32 $0x1B8B  }
0xa3: {  	_ =	swait.ge [sflag:s23], $0x1  }
0xa4: {  	[sflag:s23] =	ssyncset.done $0x0  }
0xa5: {  	s25 =	simm.s32 $0x1B8E;
	s24 =	sld [smem:$0x3FFE];
	[sflag:s23] =	ssyncadd.s32 $0xFFFFFFFF  }
0xa6: {  	s26 =	simm.s32 $execute0_lowered;
	[smem:$0x3FD2] =	sst s25  }
0xa7: {  	s6 =	sshll.u32 s26, $0x1;
	_ =	strace $0x80000046;
	[dreg:$0x1] =	wrdreg $0xFFFFFFFF  }
0xa8: {  	s28 =	simm.s32 $_size_execute0_lowered;
	s4 =	sadd.s32 s4, s6;
	[dreg:$0x0] =	wrdreg $0x0  }
0xa9: {  	s6 =	sshll.u32 s28, $0x1;
	[dreg:$0x2] =	wrdreg s4  }
0xaa: {  	[dreg:$0x3] =	wrdreg s6  }
0xab: {  	[dreg:$0x4] =	wrdreg $0xC0  }
0xac: {  	_ =	task [dreg:s8], $0x5FFFF  }
0xad: {  	[dreg:$0x1] =	wrdreg $0xFFFFFFFF  }
0xae: {  	[dreg:$0x0] =	wrdreg $0x60  }
0xaf: {  	[dreg:$0x2] =	wrdreg s2  }
0xb0: {  	[dreg:$0x3] =	wrdreg s24  }
0xb1: {  	[dreg:$0x4] =	wrdreg s18  }
0xb2: {  	[dreg:$0x5] =	wrdreg $0x84000  }
0xb3: {  	[dreg:$0x6] =	wrdreg $0x1C0000  }
0xb4: {  	[dreg:$0x7] =	wrdreg $0x1C2800  }
0xb5: {  	[dreg:$0x8] =	wrdreg $0x9  }
0xb6: {  	_ =	task.clear_ibuf [dreg:s8], $0x9FFFF;
	_ =	strace $0x90000046  }
0xb7: {  	s29 =	simm.s32 $0x9;
	_ =	strace $0x80000048  }
0xb8: {  	_ =	swait.ge [sflag:s29], $0x1  }
0xb9: {  	[sflag:s29] =	ssyncadd.s32 $0xFFFFFFFF  }
0xba: {  	_ =	strace $0x90000048  }
0xbb: {  	_ =	sfence  }
0xbc: {  	s30 =	sld [smem:$0x0];
	_ =	sdelay $0x2  }
0xbd: {  	s31 =	sshll.u32 s1, $0xD;
	s1 =	sshrl.u32 s1, $0x2  }
0xbe: {  	s3 =	sand.u32 $0x4000, s31;
	s1 =	sadd.s32 s1, s30  }
0xbf: {  	s0 =	sor.u32 s3, s0;
	s1 =	sshll.u32 s1, $0x11  }
0xc0: {  	s0 =	sor.u32 s1, s0  }
0xc1: {  	s0 =	sadd.s32 $0x8F2B, s0  }
0xc2: {  	[sflag:s0] =	ssyncadd.remote.s32 $0x1  }
0xc3: {  	_ =	sfence.sel $0xFFFF  }
0xc4: {  	[dreg:$0x0] =	wrdreg $0xFFFFFFFF;
	(pc) =	sbr.abs _section_cstart, $3  }
0xc5: {  	[dreg:$0x1] =	wrdreg $0xFFFFFFFF  }
0xc6: {  	_ =	task.clear_ibuf [dreg:s8], $0x2FFFF;
	_ =	strace $0x9FFFFFFF  }
0xc7: {  	(tm) =	ssettm $0x7FFFFFFF  }
tec
execute0_lowered:
.L_overlay_start_1:
0x0: {  	(tag) =	ssettag $0x1  }
0x1: {  	s0 =	rddreg [dreg:$0x0]  }
0x2: {  	s1 =	rddreg [dreg:$0x1]  }
0x3: {  	s6 =	rddreg [dreg:$0x2]  }
0x4: {  	s2 =	rddreg [dreg:$0x3]  }
0x5: {  	s3 =	rddreg [dreg:$0x4]  }
0x6: {  	s4 =	rddreg [dreg:$0x5];
	s5 =	simm.s32 $0x0  }
0x7: {  	s7 =	srdreg.scid;
	s13 =	stileid.u32;
	s28 =	simm.s32 $0x200  }
0x8: {  	s29 =	simm.s32 $0x2;
	s30 =	simm.s32 $0x180;
	s31 =	simm.s32 $0x300  }
0x9: {  	[smem:$0x7FF] =	sst s5;
	s7 =	sand.u32 $0x1, s7;
	s9 =	smul.u32 $0x4F000, s13  }
0xa: {  	s10 =	sadd.s32 $0xA00, s1;
	s22 =	sadd.s32 $0x1200, s1;
	s14 =	smul.u32 $0x13C00, s13  }
0xb: {  	s15 =	sadd.s32 $0x2400, s1;
	p0 =	sne.s32 s13, $0x0;
	s8 =	smul.u32 $0x500, s7  }
0xc: {  	_ =	strace $0x80000047;
	[dreg:$0x7] =	wrdreg s10;
	s20 =	smul.u32 $0x13C000, s7  }
0xd: {  	[dreg:$0x8] =	wrdreg s22;
	s23 =	ssub.s32 $0x2, s7;
	s7 =	smul.u32 $0x50000, s7  }
0xe: {  	s22 =	smul.u32 $0x5000, s13;
	s13 =	simm.s32 $0x380;
	s24 =	sshrl.u32 s23, $0x1  }
0xf: {  	s9 =	sshrl.u32 s9, $0x2;
	s16 =	sadd.s32 $0x4000, s14;
	s17 =	sadd.s32 $0x8000, s14  }
0x10: {  	s18 =	sadd.s32 $0xC000, s14;
	s21 =	sadd.s32 $0x10000, s14;
	s1 =	sadd.s32 s8, s1  }
0x11: {  	s19 =	ssub.s32 s23, s24;
	s8 =	sadd.s32 s9, s2;
	s9 =	sadd.s32 s16, s2  }
0x12: {  	s10 =	sadd.s32 s17, s2;
	s11 =	sadd.s32 s18, s2;
	s12 =	sadd.s32 s21, s2  }
0x13: {  	s14 =	sadd.s32 s14, s20;
	s16 =	sadd.s32 s20, s16;
	s26 =	sadd.s32 s20, s17  }
0x14: {  	s18 =	sadd.s32 s20, s18;
	s24 =	sadd.s32 s20, s21;
	s7 =	sadd.s32 s22, s7  }
0x15: {  	s21 =	simm.s32 $0x400;
	s22 =	simm.s32 $0x5;
	s14 =	sshrl.u32 s14, $0x3  }
0x16: {  	s25 =	sshrl.u32 s16, $0x3;
	s17 =	sshrl.u32 s26, $0x3;
	s23 =	sshrl.u32 s18, $0x3  }
0x17: {  	s1 =	sadd.s32 $0x1A00, s1;
	s26 =	sshrl.u32 s7, $0x3;
	s19 =	smax.u32 s19, $0x1  }
0x18: {  	s7 =	simm.s32 $0x4;
	s14 =	sadd.s32 s15, s14;
	[dreg:$0xe] =	wrdreg s1  }
0x19: {  	s20 =	sadd.s32 s26, s6;
	s26 =	simm.s32 $0x100;
	s1 =	simm.s32 $0x3  }
0x1a: {  	s6 =	simm.s32 $0x280;
	[dreg:$0x9] =	wrdreg s14;
	s14 =	sadd.s32 s15, s25  }
0x1b: {  	s25 =	sshrl.u32 s24, $0x3;
	[dreg:$0xa] =	wrdreg s14;
	s14 =	sadd.s32 s15, s17  }
0x1c: {  	s24 =	simm.s32 $0x4400;
	[dreg:$0xb] =	wrdreg s14;
	s14 =	sadd.s32 s15, s23  }
0x1d: {  	s23 =	simm.s32 $0x80;
	[dreg:$0xc] =	wrdreg s14;
	s14 =	sadd.s32 s15, s25  }
0x1e: {  	s25 =	simm.s32 $0x1;
	[dreg:$0xd] =	wrdreg s14;
	s14 =	simm.s32 $0x0  }
.LBB2_1:
0x1f: {  	s15 =	rddreg [dreg:$0x8]  }
0x20: {  	[tilespmem:s21], [sflag:$0x5] =	stream.linear.gather [hbm4b:s15+s5], $0x4000, $0x38;
	[tilespmem:$0x1C680] =	vst v63  }
0x21: {  	_ =	swait.ge [sflag:s22], $0x4000  }
0x22: {  	[sflag:s22] =	ssyncset.done $0x0  }
0x23: {  	[sflag:s22] =	ssyncadd.s32 $0xFFFFC000  }
0x24: {  	[spmem:s8] =	stream.linear.scatter [tilespmem:s21], [sflag:$0x5], $0x4000, $0x38;
	[tilespmem:$0x1C680] =	vst v63  }
0x25: {  	_ =	swait.ge [sflag:s22], $0x4000  }
0x26: {  	[sflag:s22] =	ssyncset.done $0x0  }
0x27: {  	[sflag:s22] =	ssyncadd.s32 $0xFFFFC000  }
0x28: {  	[spmem:s9] =	stream.linear.scatter [tilespmem:s21], [sflag:$0x5], $0x4000, $0x38;
	[tilespmem:$0x1C680] =	vst v63  }
0x29: {  	_ =	swait.ge [sflag:s22], $0x4000  }
0x2a: {  	[sflag:s22] =	ssyncset.done $0x0  }
0x2b: {  	[sflag:s22] =	ssyncadd.s32 $0xFFFFC000  }
0x2c: {  	[spmem:s10] =	stream.linear.scatter [tilespmem:s21], [sflag:$0x5], $0x4000, $0x38;
	[tilespmem:$0x1C680] =	vst v63  }
0x2d: {  	_ =	swait.ge [sflag:s22], $0x4000  }
0x2e: {  	[sflag:s22] =	ssyncset.done $0x0  }
0x2f: {  	[sflag:s22] =	ssyncadd.s32 $0xFFFFC000  }
0x30: {  	[spmem:s11] =	stream.linear.scatter [tilespmem:s21], [sflag:$0x5], $0x4000, $0x38;
	[tilespmem:$0x1C680] =	vst v63  }
0x31: {  	_ =	swait.ge [sflag:s22], $0x4000  }
0x32: {  	[sflag:s22] =	ssyncset.done $0x0  }
0x33: {  	[sflag:s22] =	ssyncadd.s32 $0xFFFFC000  }
0x34: {  	[spmem:s12] =	stream.linear.scatter [tilespmem:s21], [sflag:$0x5], $0x3C00, $0x38;
	[tilespmem:$0x1C680] =	vst v63  }
0x35: {  	_ =	swait.ge [sflag:s22], $0x3C00  }
0x36: {  	[sflag:s22] =	ssyncset.done $0x0  }
0x37: {  	s15 =	simm.s32 @!p0 $0x400;
	[sflag:s22] =	ssyncadd.s32 $0xFFFFC400  }
0x38: {  	[spmem:s3] =	stream.linear.scatter @!p0 [tilespmem:s15], [sflag:$0x5], $0x2800, $0x38;
	[tilespmem:$0x1C680] =	vst v63  }
0x39: {  	s15 =	simm.s32 @!p0 $0x5  }
0x3a: {  	_ =	swait.ge @!p0 [sflag:s15], $0x2800  }
0x3b: {  	s16 =	simm.s32 @!p0 $0x0;
	[sflag:s15] =	ssyncset.done @!p0 $0x0  }
0x3c: {  	s17 =	simm.s32 @!p0 $0x4400;
	s18 =	rddreg [dreg:$0x7];
	[sflag:s15] =	ssyncadd.s32 @!p0 $0xFFFFD800  }
0x3d: {  	[tilespmem:s17], [sflag:$0x5] =	stream.linear.gather @!p0 [hbm4b:s18+s16], $0x4000, $0x38;
	[tilespmem:$0x1C680] =	vst v63  }
0x3e: {  	_ =	swait.ge @!p0 [sflag:s15], $0x4000  }
0x3f: {  	[sflag:s15] =	ssyncset.done @!p0 $0x0  }
0x40: {  	[sflag:s15] =	ssyncadd.s32 @!p0 $0xFFFFC000  }
0x41: {  	[spmem:s4] =	stream.linear.scatter @!p0 [tilespmem:s17], [sflag:$0x5], $0x4000, $0x38;
	[tilespmem:$0x1C680] =	vst v63  }
0x42: {  	_ =	swait.ge @!p0 [sflag:s15], $0x4000  }
0x43: {  	[sflag:s15] =	ssyncset.done @!p0 $0x0  }
0x44: {  	[sflag:s15] =	ssyncadd.s32 @!p0 $0xFFFFC000  }
0x45: {  	s18 =	sadd.s32 $0x0, s20;
	[bflag:$0x0] =	sbarrier.arrive $0xFFFF  }
0x46: {  	[tilespmem:s5], [sflag:$0x5] =	stream.linear.gather [hbm4b:s18+s5], $0x200, $0x38;
	[tilespmem:$0x1C680] =	vst v63  }
0x47: {  	_ =	swait.ge [sflag:s22], $0x200  }
0x48: {  	[sflag:s22] =	ssyncset.done $0x0  }
0x49: {  	[sflag:s22] =	ssyncadd.s32 $0xFFFFFE00  }
0x4a: {  	[tilespmem:s21], [sflag:$0x1] =	stream.indirect.gather [hbm4b:s0+s23], $0x80, s5, s23, $0xb8;
	[tilespmem:$0x1C680] =	vst v63  }
0x4b: {  	_ = 	snop  }
0x4c: {  	[tilespmem:s24], [sflag:$0x2] =	stream.indirect.gather [hbm4b:s0+s23], $0x80, s23, s23, $0xb8;
	[tilespmem:$0x1C680] =	vst v63  }
0x4d: {  	v0 =	vld [tilespmem:$0x1F0];
	_ =	sdelay $0x1  }
0x4e: {  	v1 =	vld [tilespmem:$0x170]  }
0x4f: {  	v2 =	vld [tilespmem:$0x130];
	_ =	sdelay $0x1  }
0x50: {  	v3 =	vand.u32 $0x7F, v0  }
0x51: {  	v57 =	vld [tilespmem:$0x110];
	v0 =	vshra.s32 v0, $0x7;
	[tilespmem:$0x370] =	vst v3  }
0x52: {  	v60 =	vld [tilespmem:$0x1D0];
	v5 =	vand.u32 $0x7F, v1;
	[tilespmem:$0x3F0] =	vst v0  }
0x53: {  	v4 =	vld [tilespmem:$0x190];
	v6 =	vshra.s32 v2, $0x7;
	[tilespmem:$0x270] =	vst v5  }
0x54: {  	v2 =	vand.u32 $0x7F, v2;
	v3 =	vld [tilespmem:$0x100];
	[tilespmem:$0x2B0] =	vst v6  }
0x55: {  	v1 =	vshra.s32 v1, $0x7;
	v0 =	vld [tilespmem:$0x180];
	[tilespmem:$0x230] =	vst v2  }
0x56: {  	v7 =	vshra.s32 v57, $0x7;
	[tilespmem:$0x2F0] =	vst v1  }
0x57: {  	v62 =	vshra.s32 v60, $0x7;
	[tilespmem:$0x290] =	vst v7  }
0x58: {  	v2 =	vshra.s32 v4, $0x7;
	[tilespmem:$0x3D0] =	vst v62  }
0x59: {  	v58 =	vld [tilespmem:$0x150];
	[tilespmem:$0x390] =	vst v2;
	v1 =	vshra.s32 v3, $0x7  }
0x5a: {  	v2 =	vshra.s32 v0, $0x7;
	[tilespmem:$0x280] =	vst v1  }
0x5b: {  	v0 =	vand.u32 $0x7F, v0;
	[tilespmem:$0x380] =	vst v2  }
0x5c: {  	v2 =	vand.u32 $0x7F, v57;
	[tilespmem:$0x300] =	vst v0  }
0x5d: {  	v1 =	vld [tilespmem:$0x1B0];
	v0 =	vand.u32 $0x7F, v3;
	[tilespmem:$0x210] =	vst v2  }
0x5e: {  	v2 =	vshra.s32 v58, $0x7;
	[tilespmem:$0x200] =	vst v0;
	v0 =	vld [tilespmem:$0x120]  }
0x5f: {  	v59 =	vld [tilespmem:$0x1E0];
	[tilespmem:$0x2D0] =	vst v2;
	v2 =	vand.u32 $0x7F, v4  }
0x60: {  	v4 =	vand.u32 $0x7F, v60;
	[tilespmem:$0x310] =	vst v2  }
0x61: {  	v2 =	vand.u32 $0x7F, v58;
	[tilespmem:$0x350] =	vst v4  }
0x62: {  	[tilespmem:$0x250] =	vst v2;
	v3 =	vshra.s32 v1, $0x7  }
0x63: {  	v61 =	vld [tilespmem:$0x160];
	[tilespmem:$0x3B0] =	vst v3;
	v2 =	vshra.s32 v0, $0x7  }
0x64: {  	v3 =	vshra.s32 v59, $0x7;
	[tilespmem:$0x2A0] =	vst v2;
	v2 =	vld [tilespmem:$0x1A0]  }
0x65: {  	[tilespmem:$0x3E0] =	vst v3;
	v3 =	vand.u32 $0x7F, v59  }
0x66: {  	v1 =	vand.u32 $0x7F, v1;
	[tilespmem:$0x360] =	vst v3;
	v3 =	vld [tilespmem:$0x140]  }
0x67: {  	[tilespmem:$0x330] =	vst v1;
	v0 =	vand.u32 $0x7F, v0  }
0x68: {  	v1 =	vshra.s32 v61, $0x7;
	[tilespmem:$0x220] =	vst v0  }
0x69: {  	v63 =	vld [tilespmem:$0x1C0];
	[tilespmem:$0x2E0] =	vst v1;
	v1 =	vshra.s32 v2, $0x7  }
0x6a: {  	v2 =	vand.u32 $0x7F, v2;
	[tilespmem:$0x3A0] =	vst v1  }
0x6b: {  	v0 =	vshra.s32 v3, $0x7;
	[tilespmem:$0x320] =	vst v2  }
0x6c: {  	v1 =	vand.u32 $0x7F, v3;
	[tilespmem:$0x2C0] =	vst v0  }
0x6d: {  	v0 =	vand.u32 $0x7F, v61;
	[tilespmem:$0x240] =	vst v1  }
0x6e: {  	s15 =	simm.s32 $0x40;
	v1 =	vshra.s32 v63, $0x7;
	[tilespmem:$0x260] =	vst v0;
	v0 =	vand.u32 $0x7F, v63  }
.LBB2_2:
0x6f: {  	p1 =	sne.s32 s15, $0x9C0;
	[tilespmem:$0x3C0] =	vst v1;
	s16 =	smov.u32 s15;
	s15 =	sadd.s32 $0x40, s15  }
0x70: {  	[tilespmem:$0x340] =	vst v0  }
0x71: {  	_ =	swait.ge [sflag:s25], $0x4000  }
0x72: {  	[sflag:s25] =	ssyncset.done $0x0  }
0x73: {  	[sflag:s25] =	ssyncadd.s32 $0xFFFFC000  }
0x74: {  	[spmem:s2] =	stream.indirect.scatter.add.f32 [tilespmem:s21], [sflag:$0x5], $0x80, s26, s23, $0xb8;
	[tilespmem:$0x1C680] =	vst v63  }
0x75: {  	_ =	swait.ge [sflag:s22], $0x4000  }
0x76: {  	[sflag:s22] =	ssyncset.done $0x0  }
0x77: {  	[sflag:s22] =	ssyncadd.s32 $0xFFFFC000  }
0x78: {  	[tilespmem:s21], [sflag:$0x3] =	stream.indirect.gather [spmem:s4], $0x80, s28, s23, $0xb8;
	[tilespmem:$0x1C680] =	vst v63  }
0x79: {  	_ =	swait.ge [sflag:s29], $0x4000  }
0x7a: {  	[sflag:s29] =	ssyncset.done $0x0  }
0x7b: {  	[sflag:s29] =	ssyncadd.s32 $0xFFFFC000  }
0x7c: {  	[spmem:s2] =	stream.indirect.scatter.add.f32 [tilespmem:s24], [sflag:$0x5], $0x80, s30, s23, $0xb8;
	[tilespmem:$0x1C680] =	vst v63  }
0x7d: {  	_ =	swait.ge [sflag:s22], $0x4000  }
0x7e: {  	[sflag:s22] =	ssyncset.done $0x0  }
0x7f: {  	[sflag:s22] =	ssyncadd.s32 $0xFFFFC000  }
0x80: {  	[tilespmem:s24], [sflag:$0x4] =	stream.indirect.gather [spmem:s4], $0x80, s31, s23, $0xb8;
	[tilespmem:$0x1C680] =	vst v63  }
0x81: {  	_ =	swait.ge [sflag:s1], $0x4000  }
0x82: {  	[sflag:s1] =	ssyncset.done $0x0  }
0x83: {  	[sflag:s1] =	ssyncadd.s32 $0xFFFFC000  }
0x84: {  	[spmem:s3] =	stream.indirect.scatter.add.f32 [tilespmem:s21], [sflag:$0x5], $0x80, s6, s23, $0xb8;
	[tilespmem:$0x1C680] =	vst v63  }
0x85: {  	_ =	swait.ge [sflag:s22], $0x4000  }
0x86: {  	[sflag:s22] =	ssyncset.done $0x0  }
0x87: {  	[sflag:s22] =	ssyncadd.s32 $0xFFFFC000  }
0x88: {  	_ =	swait.ge [sflag:s7], $0x4000  }
0x89: {  	[sflag:s7] =	ssyncset.done $0x0  }
0x8a: {  	[sflag:s7] =	ssyncadd.s32 $0xFFFFC000  }
0x8b: {  	[spmem:s3] =	stream.indirect.scatter.add.f32 [tilespmem:s24], [sflag:$0x5], $0x80, s13, s23, $0xb8;
	[tilespmem:$0x1C680] =	vst v63  }
0x8c: {  	_ =	swait.ge [sflag:s22], $0x4000  }
0x8d: {  	[sflag:s22] =	ssyncset.done $0x0  }
0x8e: {  	s16 =	sadd.s32 s16, s20;
	[sflag:s22] =	ssyncadd.s32 $0xFFFFC000  }
0x8f: {  	[tilespmem:s5], [sflag:$0x5] =	stream.linear.gather [hbm4b:s16+s5], $0x200, $0x38;
	[tilespmem:$0x1C680] =	vst v63  }
0x90: {  	_ =	swait.ge [sflag:s22], $0x200  }
0x91: {  	[sflag:s22] =	ssyncset.done $0x0  }
0x92: {  	[sflag:s22] =	ssyncadd.s32 $0xFFFFFE00  }
0x93: {  	[tilespmem:s21], [sflag:$0x1] =	stream.indirect.gather [hbm4b:s0+s23], $0x80, s5, s23, $0xb8;
	[tilespmem:$0x1C680] =	vst v63  }
0x94: {  	_ = 	snop  }
0x95: {  	[tilespmem:s24], [sflag:$0x2] =	stream.indirect.gather [hbm4b:s0+s23], $0x80, s23, s23, $0xb8;
	[tilespmem:$0x1C680] =	vst v63  }
0x96: {  	v0 =	vld [tilespmem:$0x1F0]  }
0x97: {  	v1 =	vld [tilespmem:$0x170]  }
0x98: {  	v2 =	vld [tilespmem:$0x130]  }
0x99: {  	v3 =	vld [tilespmem:$0x180]  }
0x9a: {  	v4 =	vld [tilespmem:$0x100]  }
0x9b: {  	v5 =	vld [tilespmem:$0x190];
	v6 =	vand.u32 $0x7F, v0;
	v0 =	vshra.s32 v0, $0x7  }
0x9c: {  	v7 =	vld [tilespmem:$0x120];
	v8 =	vand.u32 $0x7F, v1;
	v1 =	vshra.s32 v1, $0x7;
	[tilespmem:$0x370] =	vst v6  }
0x9d: {  	v6 =	vld [tilespmem:$0x1A0];
	v9 =	vand.u32 $0x7F, v2;
	v2 =	vshra.s32 v2, $0x7;
	[tilespmem:$0x3F0] =	vst v0  }
0x9e: {  	v0 =	vand.u32 $0x7F, v3;
	v3 =	vshra.s32 v3, $0x7;
	v10 =	vld [tilespmem:$0x110];
	[tilespmem:$0x270] =	vst v8  }
0x9f: {  	v8 =	vand.u32 $0x7F, v4;
	v4 =	vshra.s32 v4, $0x7;
	[tilespmem:$0x2B0] =	vst v2;
	v2 =	vld [tilespmem:$0x1B0]  }
0xa0: {  	v11 =	vand.u32 $0x7F, v5;
	v5 =	vshra.s32 v5, $0x7;
	[tilespmem:$0x230] =	vst v9;
	v9 =	vld [tilespmem:$0x140]  }
0xa1: {  	v12 =	vand.u32 $0x7F, v7;
	v7 =	vshra.s32 v7, $0x7;
	v13 =	vld [tilespmem:$0x1C0];
	[tilespmem:$0x2F0] =	vst v1  }
0xa2: {  	[tilespmem:$0x390] =	vst v5;
	v5 =	vand.u32 $0x7F, v6;
	v6 =	vshra.s32 v6, $0x7;
	v14 =	vld [tilespmem:$0x150]  }
0xa3: {  	[tilespmem:$0x280] =	vst v4;
	v4 =	vand.u32 $0x7F, v10;
	v1 =	vshra.s32 v10, $0x7;
	v10 =	vld [tilespmem:$0x1D0]  }
0xa4: {  	[tilespmem:$0x380] =	vst v3;
	v3 =	vand.u32 $0x7F, v2;
	v2 =	vshra.s32 v2, $0x7;
	v15 =	vld [tilespmem:$0x160]  }
0xa5: {  	[tilespmem:$0x290] =	vst v1;
	v16 =	vand.u32 $0x7F, v9;
	v9 =	vshra.s32 v9, $0x7;
	v17 =	vld [tilespmem:$0x1E0]  }
0xa6: {  	[tilespmem:$0x300] =	vst v0;
	v0 =	vand.u32 $0x7F, v13;
	v1 =	vshra.s32 v13, $0x7  }
0xa7: {  	[tilespmem:$0x210] =	vst v4;
	v4 =	vand.u32 $0x7F, v14;
	v13 =	vshra.s32 v14, $0x7  }
0xa8: {  	[tilespmem:$0x200] =	vst v8;
	v8 =	vand.u32 $0x7F, v10;
	v10 =	vshra.s32 v10, $0x7  }
0xa9: {  	[tilespmem:$0x2D0] =	vst v13;
	v13 =	vand.u32 $0x7F, v15;
	v14 =	vshra.s32 v15, $0x7  }
0xaa: {  	[tilespmem:$0x3B0] =	vst v2;
	v2 =	vand.u32 $0x7F, v17;
	v15 =	vshra.s32 v17, $0x7  }
0xab: {  	[tilespmem:$0x310] =	vst v11  }
0xac: {  	[tilespmem:$0x3E0] =	vst v15  }
0xad: {  	[tilespmem:$0x250] =	vst v4  }
0xae: {  	[tilespmem:$0x360] =	vst v2  }
0xaf: {  	[tilespmem:$0x2A0] =	vst v7  }
0xb0: {  	[tilespmem:$0x3D0] =	vst v10  }
0xb1: {  	[tilespmem:$0x330] =	vst v3  }
0xb2: {  	[tilespmem:$0x350] =	vst v8  }
0xb3: {  	[tilespmem:$0x220] =	vst v12  }
0xb4: {  	[tilespmem:$0x2E0] =	vst v14  }
.Ltmp0:
0xb5: {  	[tilespmem:$0x2C0] =	vst v9;
	(pc) =	sbr.rel @p1 .LBB2_2-.Ltmp0, $4  }
0xb6: {  	[tilespmem:$0x3A0] =	vst v6  }
0xb7: {  	[tilespmem:$0x260] =	vst v13  }
0xb8: {  	[tilespmem:$0x240] =	vst v16  }
0xb9: {  	[tilespmem:$0x320] =	vst v5  }
0xba: {  	[tilespmem:$0x3C0] =	vst v1  }
0xbb: {  	[tilespmem:$0x340] =	vst v0  }
0xbc: {  	_ =	swait.ge [sflag:s25], $0x4000  }
0xbd: {  	[sflag:s25] =	ssyncset.done $0x0  }
0xbe: {  	[sflag:s25] =	ssyncadd.s32 $0xFFFFC000  }
0xbf: {  	[spmem:s2] =	stream.indirect.scatter.add.f32 [tilespmem:s21], [sflag:$0x5], $0x80, s26, s23, $0xb8;
	[tilespmem:$0x1C680] =	vst v63  }
0xc0: {  	_ =	swait.ge [sflag:s22], $0x4000  }
0xc1: {  	[sflag:s22] =	ssyncset.done $0x0  }
0xc2: {  	[sflag:s22] =	ssyncadd.s32 $0xFFFFC000  }
0xc3: {  	[tilespmem:s21], [sflag:$0x3] =	stream.indirect.gather [spmem:s4], $0x80, s28, s23, $0xb8;
	[tilespmem:$0x1C680] =	vst v63  }
0xc4: {  	_ =	swait.ge [sflag:s29], $0x4000  }
0xc5: {  	[sflag:s29] =	ssyncset.done $0x0  }
0xc6: {  	[sflag:s29] =	ssyncadd.s32 $0xFFFFC000  }
0xc7: {  	[spmem:s2] =	stream.indirect.scatter.add.f32 [tilespmem:s24], [sflag:$0x5], $0x80, s30, s23, $0xb8;
	[tilespmem:$0x1C680] =	vst v63  }
0xc8: {  	_ =	swait.ge [sflag:s22], $0x4000  }
0xc9: {  	[sflag:s22] =	ssyncset.done $0x0  }
0xca: {  	[sflag:s22] =	ssyncadd.s32 $0xFFFFC000  }
0xcb: {  	[tilespmem:s24], [sflag:$0x4] =	stream.indirect.gather [spmem:s4], $0x80, s31, s23, $0xb8;
	[tilespmem:$0x1C680] =	vst v63  }
0xcc: {  	_ =	swait.ge [sflag:s1], $0x4000  }
0xcd: {  	[sflag:s1] =	ssyncset.done $0x0  }
0xce: {  	[sflag:s1] =	ssyncadd.s32 $0xFFFFC000  }
0xcf: {  	[spmem:s3] =	stream.indirect.scatter.add.f32 [tilespmem:s21], [sflag:$0x5], $0x80, s6, s23, $0xb8;
	[tilespmem:$0x1C680] =	vst v63  }
0xd0: {  	_ =	swait.ge [sflag:s22], $0x4000  }
0xd1: {  	[sflag:s22] =	ssyncset.done $0x0  }
0xd2: {  	[sflag:s22] =	ssyncadd.s32 $0xFFFFC000  }
0xd3: {  	_ =	swait.ge [sflag:s7], $0x4000  }
0xd4: {  	[sflag:s7] =	ssyncset.done $0x0  }
0xd5: {  	[sflag:s7] =	ssyncadd.s32 $0xFFFFC000  }
0xd6: {  	[spmem:s3] =	stream.indirect.scatter.add.f32 [tilespmem:s24], [sflag:$0x5], $0x80, s13, s23, $0xb8;
	[tilespmem:$0x1C680] =	vst v63  }
0xd7: {  	_ =	swait.ge [sflag:s22], $0x4000  }
0xd8: {  	[sflag:s22] =	ssyncset.done $0x0  }
0xd9: {  	[sflag:s22] =	ssyncadd.s32 $0xFFFFC000  }
0xda: {  	[bflag:$0x0] =	sbarrier.arrive $0xFFFF  }
0xdb: {  	[tilespmem:s21], [sflag:$0x5] =	stream.linear.gather [spmem:s8], $0x4000, $0x38;
	[tilespmem:$0x1C680] =	vst v63  }
0xdc: {  	_ =	swait.ge [sflag:s22], $0x4000  }
0xdd: {  	[sflag:s22] =	ssyncset.done $0x0  }
0xde: {  	s15 =	rddreg [dreg:$0x9];
	[sflag:s22] =	ssyncadd.s32 $0xFFFFC000  }
0xdf: {  	[hbm4b:s15+s5] =	stream.linear.scatter [tilespmem:s21], [sflag:$0x5], $0x4000, $0x38;
	[tilespmem:$0x1C680] =	vst v63  }
0xe0: {  	_ =	swait.ge [sflag:s22], $0x4000  }
0xe1: {  	[sflag:s22] =	ssyncset.done $0x0  }
0xe2: {  	[sflag:s22] =	ssyncadd.s32 $0xFFFFC000  }
0xe3: {  	[tilespmem:s21], [sflag:$0x5] =	stream.linear.gather [spmem:s9], $0x4000, $0x38;
	[tilespmem:$0x1C680] =	vst v63  }
0xe4: {  	_ =	swait.ge [sflag:s22], $0x4000  }
0xe5: {  	[sflag:s22] =	ssyncset.done $0x0  }
0xe6: {  	s18 =	rddreg [dreg:$0xa];
	[sflag:s22] =	ssyncadd.s32 $0xFFFFC000  }
0xe7: {  	[hbm4b:s18+s5] =	stream.linear.scatter [tilespmem:s21], [sflag:$0x5], $0x4000, $0x38;
	[tilespmem:$0x1C680] =	vst v63  }
0xe8: {  	_ =	swait.ge [sflag:s22], $0x4000  }
0xe9: {  	[sflag:s22] =	ssyncset.done $0x0  }
0xea: {  	[sflag:s22] =	ssyncadd.s32 $0xFFFFC000  }
0xeb: {  	[tilespmem:s21], [sflag:$0x5] =	stream.linear.gather [spmem:s10], $0x4000, $0x38;
	[tilespmem:$0x1C680] =	vst v63  }
0xec: {  	_ =	swait.ge [sflag:s22], $0x4000  }
0xed: {  	[sflag:s22] =	ssyncset.done $0x0  }
0xee: {  	s16 =	rddreg [dreg:$0xb];
	[sflag:s22] =	ssyncadd.s32 $0xFFFFC000  }
0xef: {  	[hbm4b:s16+s5] =	stream.linear.scatter [tilespmem:s21], [sflag:$0x5], $0x4000, $0x38;
	[tilespmem:$0x1C680] =	vst v63  }
0xf0: {  	_ =	swait.ge [sflag:s22], $0x4000  }
0xf1: {  	[sflag:s22] =	ssyncset.done $0x0  }
0xf2: {  	[sflag:s22] =	ssyncadd.s32 $0xFFFFC000  }
0xf3: {  	[tilespmem:s21], [sflag:$0x5] =	stream.linear.gather [spmem:s11], $0x4000, $0x38;
	[tilespmem:$0x1C680] =	vst v63  }
0xf4: {  	_ =	swait.ge [sflag:s22], $0x4000  }
0xf5: {  	[sflag:s22] =	ssyncset.done $0x0  }
0xf6: {  	s17 =	rddreg [dreg:$0xc];
	[sflag:s22] =	ssyncadd.s32 $0xFFFFC000  }
0xf7: {  	[hbm4b:s17+s5] =	stream.linear.scatter [tilespmem:s21], [sflag:$0x5], $0x4000, $0x38;
	[tilespmem:$0x1C680] =	vst v63  }
0xf8: {  	_ =	swait.ge [sflag:s22], $0x4000  }
0xf9: {  	[sflag:s22] =	ssyncset.done $0x0  }
0xfa: {  	[sflag:s22] =	ssyncadd.s32 $0xFFFFC000  }
0xfb: {  	[tilespmem:s21], [sflag:$0x5] =	stream.linear.gather [spmem:s12], $0x3C00, $0x38;
	[tilespmem:$0x1C680] =	vst v63  }
0xfc: {  	_ =	swait.ge [sflag:s22], $0x3C00  }
0xfd: {  	[sflag:s22] =	ssyncset.done $0x0  }
0xfe: {  	s18 =	rddreg [dreg:$0xd];
	[sflag:s22] =	ssyncadd.s32 $0xFFFFC400  }
0xff: {  	[hbm4b:s18+s5] =	stream.linear.scatter [tilespmem:s21], [sflag:$0x5], $0x3C00, $0x38;
	[tilespmem:$0x1C680] =	vst v63  }
0x100: {  	_ =	swait.ge [sflag:s22], $0x3C00  }
0x101: {  	[sflag:s22] =	ssyncset.done $0x0  }
0x102: {  	s15 =	simm.s32 @!p0 $0x4400;
	s16 =	simm.s32 @!p0 $0x5;
	[sflag:s22] =	ssyncadd.s32 $0xFFFFC400  }
0x103: {  	[tilespmem:s15], [sflag:$0x5] =	stream.linear.gather @!p0 [spmem:s3], $0x2800, $0x38;
	[tilespmem:$0x1C680] =	vst v63  }
0x104: {  	s14 =	sadd.s32 $0x1, s14;
	_ =	swait.ge @!p0 [sflag:s16], $0x2800  }
0x105: {  	p1 =	sne.s32 s14, s19;
	s17 =	simm.s32 @!p0 $0x0;
	[sflag:s16] =	ssyncset.done @!p0 $0x0  }
.Ltmp1:
0x106: {  	s18 =	rddreg [dreg:$0xe];
	[sflag:s16] =	ssyncadd.s32 @!p0 $0xFFFFD800;
	(pc) =	sbr.rel @p1 .LBB2_1-.Ltmp1, $4  }
0x107: {  	[hbm4b:s18+s17] =	stream.linear.scatter @!p0 [tilespmem:s15], [sflag:$0x5], $0x2800, $0x38;
	[tilespmem:$0x1C680] =	vst v63  }
0x108: {  	_ =	swait.ge @!p0 [sflag:s16], $0x2800  }
0x109: {  	[sflag:s16] =	ssyncset.done @!p0 $0x0  }
0x10a: {  	[sflag:s16] =	ssyncadd.s32 @!p0 $0xFFFFD800  }
0x10b: {  	_ =	sfence.sel $0x180000  }
0x10c: {  	[bflag:$0x0] =	sbarrier.arrive $0xFFFF  }
0x10d: {  	_ =	strace $0x90000047  }
0x10e: {  	[bflag:$0x2] =	sbarrier.arrive $0xFFFF  }
0x10f: {  	s0 =	rddreg [dreg:$0x6]  }
0x110: {  	s0 =	sadd.s32 @!p0 $0x100000, s0  }
0x111: {  	[sflag:s0] =	ssyncadd.tile.s32 @!p0 $0x1;
	_ =	shalt  }
.Lfunc_end2:
_tile_overlayer_lowered:
.L_overlay_start_2:
0x112: {  	(tag) =	ssettag $0x2  }
0x113: {  	s0 =	rddreg [dreg:$0x0];
	s2 =	stileid.u32  }
0x114: {  	s1 =	rddreg [dreg:$0x1];
	p0 =	sne.s32 s2, $0x0  }
0x115: {  	s3 =	rddreg [dreg:$0x2];
	[bflag:$0x3] =	sbarrier.arrive $0xFFFF;
	s2 =	simm.s32 @!p0 $0x1C05  }
0x116: {  	[timem:s3], [sflag:s2] =	dma.local @!p0 [hbm:s0], s1  }
0x117: {  	s0 =	simm.s32 @!p0 $0x5  }
0x118: {  	_ =	swait.ge @!p0 [sflag:s0], s1  }
0x119: {  	s1 =	ssub.s32 @!p0 $0x0, s1;
	[sflag:s0] =	ssyncset.done @!p0 $0x0  }
0x11a: {  	[sflag:s0] =	ssyncadd.s32 @!p0 s1  }
0x11b: {  	[bflag:$0x3] =	sbarrier.arrive $0xFFFF  }
0x11c: {  	_ =	shalt  }

</sc_bundles>
